<compile_context>
chip_gen: v7x
topology: tpu7x:2x2x1
jax: 0.10.2.dev20260603
libtpu: 0.0.44.dev20260713+nightly
codegen_flags: <defaults>
</compile_context>

<pallas_src>
import functools

import jax
import jax.numpy as jnp
from jax import lax
from jax.experimental import pallas as pl
from jax.experimental.pallas import tpu as pltpu
from jax.experimental.pallas import tpu_sc as plsc

NUM_CLASSES = 100000
D = 128
B = 16384

_info = plsc.get_sparse_core_info()
NC = _info.num_cores
NS = _info.num_subcores
L = _info.num_lanes
NW = NC * NS
ROWS_PER_W = B // NW
SUB = 128
NSUB = ROWS_PER_W // SUB
GROUPS = SUB // L

_MAGIC = 0x5F3759DF


def _newton_sqrt(x):
    xi = plsc.bitcast(x, jnp.int32)
    yi = jnp.int32(_MAGIC) - lax.shift_right_logical(xi, jnp.int32(1))
    y = plsc.bitcast(yi, jnp.float32)
    half_x = x * jnp.float32(0.5)
    for _ in range(3):
        y = y * (jnp.float32(1.5) - half_x * y * y)
    return x * y


def _sc_kernel(feat_hbm, ids_hbm, cent_hbm, out_hbm, idx_v, f_all, c_bufs,
               out_v, sems):
    wid = lax.axis_index("s") * NC + lax.axis_index("c")
    base = wid * ROWS_PER_W

    pltpu.sync_copy(ids_hbm.at[wid], idx_v)

    lane = lax.iota(jnp.int32, L)

    fcopy = pltpu.async_copy(feat_hbm.at[pl.ds(base * D, ROWS_PER_W * D)],
                             f_all, sems[2])

    def gather(sub):
        return pltpu.async_copy(cent_hbm.at[idx_v.at[sub]],
                                c_bufs[sub % 2], sems[sub % 2])

    pending = gather(0)
    fcopy.wait()

    for sub in range(NSUB):
        c_buf = c_bufs[sub % 2]
        pending.wait()
        if sub + 1 < NSUB:
            pending = gather(sub + 1)

        def group_body(g, _, c_buf=c_buf, sub=sub):
            rows = lane + g * jnp.int32(L)
            rowbase = (rows + jnp.int32(sub * SUB)) * jnp.int32(D)

            def col_body(i, accs, rows=rows, rowbase=rowbase, c_buf=c_buf):
                new = list(accs)
                for u in range(16):
                    c0 = i * 16 + u
                    cols = lax.bitwise_and(lane + c0, jnp.int32(D - 1))
                    fv = plsc.load_gather(f_all, [rowbase + cols])
                    cv = plsc.load_gather(c_buf, [rows, cols])
                    dv = fv - cv
                    new[u % 8] = new[u % 8] + dv * dv
                return tuple(new)

            zero = jnp.zeros((L,), jnp.float32)
            accs = list(lax.fori_loop(0, D // 16, col_body, (zero,) * 8))
            while len(accs) > 1:
                accs = [accs[i] + accs[i + 1] for i in range(0, len(accs), 2)]
            dist = _newton_sqrt(accs[0]) * jnp.float32(1.0 / D)
            out_v[pl.ds(sub * SUB + g * L, L)] = dist
            return 0

        lax.fori_loop(0, GROUPS, group_body, 0)

    pltpu.sync_copy(out_v, out_hbm.at[pl.ds(base, ROWS_PER_W)])


@jax.jit
def kernel(features, class_ids, centers):
    ids2 = class_ids.reshape(NW, NSUB, SUB).astype(jnp.int32)
    features = features.reshape(B * D)
    mesh = plsc.VectorSubcoreMesh(core_axis_name="c", subcore_axis_name="s")
    run = functools.partial(
        pl.kernel,
        mesh=mesh,
        compiler_params=pltpu.CompilerParams(needs_layout_passes=False),
        out_type=jax.ShapeDtypeStruct((B,), jnp.float32),
        scratch_types=[
            pltpu.VMEM((NSUB, SUB), jnp.int32),
            pltpu.VMEM((ROWS_PER_W * D,), jnp.float32),
            [pltpu.VMEM((SUB, D), jnp.float32)] * 2,
            pltpu.VMEM((ROWS_PER_W,), jnp.float32),
            [pltpu.SemaphoreType.DMA] * 3,
        ],
    )(_sc_kernel)
    out = run(features, ids2, centers)
    return out.reshape(B, 1)

# --- scband reference (transcript-rebuilt; emitter-appended) ---
"""Pipeline reference for scband-class-center-bank-17497696764051 (READ-ONLY COPY).

The authoritative reference and input builder live on the scoring server;
editing this copy changes nothing except your own understanding.
"""

import jax, jax.numpy as jnp
import numpy as np

NUM_CLASSES = 100000
FEATURE_DIM = 128
BATCH = 16384


def setup_inputs(seed: int = 0) -> dict:
    key = jax.random.key(seed)
    k1, k2, k3 = jax.random.split(key, 3)
    features = jax.random.normal(k1, (BATCH, FEATURE_DIM), dtype=jnp.float32)
    class_ids = jax.random.randint(k2, (BATCH,), 0, NUM_CLASSES, dtype=jnp.int32)
    # learned parameter: class center table (num_classes, feature_dim)
    centers = jax.random.normal(k3, (NUM_CLASSES, FEATURE_DIM), dtype=jnp.float32) * 0.02
    return {"features": features, "class_ids": class_ids, "centers": centers}


def reference(features, class_ids, centers):
    # ClassCenterBank.compute_distance:
    #   centers_b = self.centers[class_ids]            (embedding lookup / gather)
    #   distances = ||features - centers_b.detach()||_2, keepdim
    #   distances = distances / feature_dim
    centers_b = jnp.take(centers, class_ids, axis=0)
    centers_b = jax.lax.stop_gradient(centers_b)  # .detach()
    distances = jnp.linalg.norm(features - centers_b, axis=-1, keepdims=True)
    distances = distances / FEATURE_DIM
    return distances

if __name__ == "__main__":
    import jax
    _d = setup_inputs()
    print(jax.jit(kernel)(*tuple(_d.values())))

</pallas_src>

<mosaic_0001>
#map = affine_map<(d0, d1) -> (0)>
#map1 = affine_map<(d0, d1) -> (0, 0, 0)>
#map2 = affine_map<(d0, d1) -> (0, 0)>
module attributes {stable_mosaic.version = 14 : i64} {
  func.func @_sc_kernel(%arg0: i32, %arg1: i32, %arg2: memref<2097152xf32, #tpu.memory_space<hbm>>, %arg3: memref<32x4x128xi32, #tpu.memory_space<hbm>>, %arg4: memref<100000x128xf32, #tpu.memory_space<hbm>>, %arg5: memref<16384xf32, #tpu.memory_space<hbm>>, %arg6: memref<4x128xi32, #tpu.memory_space<vmem>>, %arg7: memref<65536xf32, #tpu.memory_space<vmem>>, %arg8: memref<128x128xf32, #tpu.memory_space<vmem>>, %arg9: memref<128x128xf32, #tpu.memory_space<vmem>>, %arg10: memref<512xf32, #tpu.memory_space<vmem>>, %arg11: memref<!tpu.dma_semaphore, #tpu.memory_space<semaphore_mem>>, %arg12: memref<!tpu.dma_semaphore, #tpu.memory_space<semaphore_mem>>, %arg13: memref<!tpu.dma_semaphore, #tpu.memory_space<semaphore_mem>>) attributes {dimension_semantics = [#tpu.dimension_semantics<core_parallel>, #tpu.dimension_semantics<subcore_parallel>], iteration_bounds = array<i64: 2, 16>, scalar_prefetch = 0 : i64, scratch_operands = 8 : i64, tpu.core_type = #tpu.core_type<sc_vector_subcore>, window_params = [{transform_indices = #map}, {transform_indices = #map1}, {transform_indices = #map2}, {transform_indices = #map}]} {
    %mul3A = arith.constant 2 : i32
    %mul3A_0 = arith.muli %arg1, %mul3A : i32
    %add3A = arith.addi %mul3A_0, %arg0 : i32
    %mul3A_1 = arith.constant 512 : i32
    %mul3A_2 = arith.muli %add3A, %mul3A_1 : i32
    "tpu.region"() ({
      %run_scoped3A = tpu.sem_alloc : memref<!tpu.dma_semaphore, #tpu.memory_space<semaphore_mem>>
      %dma_start3A_90 = arith.constant 0 : i32
      %dma_start3A_91 = arith.constant 0 : i32
      %dma_start3A_92 = tpu.memref_slice %arg3[%add3A, %dma_start3A_90, %dma_start3A_91] : memref<32x4x128xi32, #tpu.memory_space<hbm>> -> memref<1x4x128xi32, #tpu.memory_space<hbm>>
      %dma_start3A_93 = tpu.memref_squeeze %dma_start3A_92 : memref<1x4x128xi32, #tpu.memory_space<hbm>> -> memref<4x128xi32, #tpu.memory_space<hbm>>
      %dma_start3A_94 = arith.constant 0 : i32
      %dma_start3A_95 = arith.constant 0 : i32
      %dma_start3A_96 = tpu.memref_slice %arg3[%add3A, %dma_start3A_94, %dma_start3A_95] : memref<32x4x128xi32, #tpu.memory_space<hbm>> -> memref<1x4x128xi32, #tpu.memory_space<hbm>>
      %dma_start3A_97 = tpu.memref_squeeze %dma_start3A_96 : memref<1x4x128xi32, #tpu.memory_space<hbm>> -> memref<4x128xi32, #tpu.memory_space<hbm>>
      tpu.enqueue_dma source(%dma_start3A_97 : memref<4x128xi32, #tpu.memory_space<hbm>>) target(%arg6 : memref<4x128xi32, #tpu.memory_space<vmem>>) target_semaphore(%run_scoped3A : memref<!tpu.dma_semaphore, #tpu.memory_space<semaphore_mem>>)
      %dma_wait3A_98 = arith.constant 0 : i32
      %dma_wait3A_99 = arith.constant 0 : i32
      %dma_wait3A_100 = tpu.memref_slice %arg3[%add3A, %dma_wait3A_98, %dma_wait3A_99] : memref<32x4x128xi32, #tpu.memory_space<hbm>> -> memref<1x4x128xi32, #tpu.memory_space<hbm>>
      %dma_wait3A_101 = tpu.memref_squeeze %dma_wait3A_100 : memref<1x4x128xi32, #tpu.memory_space<hbm>> -> memref<4x128xi32, #tpu.memory_space<hbm>>
      %dma_wait3A_102 = arith.constant 0 : i32
      %dma_wait3A_103 = arith.constant 0 : i32
      %dma_wait3A_104 = tpu.memref_slice %arg3[%add3A, %dma_wait3A_102, %dma_wait3A_103] : memref<32x4x128xi32, #tpu.memory_space<hbm>> -> memref<1x4x128xi32, #tpu.memory_space<hbm>>
      %dma_wait3A_105 = tpu.memref_squeeze %dma_wait3A_104 : memref<1x4x128xi32, #tpu.memory_space<hbm>> -> memref<4x128xi32, #tpu.memory_space<hbm>>
      tpu.wait_dma2 semaphore(%run_scoped3A : memref<!tpu.dma_semaphore, #tpu.memory_space<semaphore_mem>>) src(%dma_wait3A_105 : memref<4x128xi32, #tpu.memory_space<hbm>>) dst(%arg6 : memref<4x128xi32, #tpu.memory_space<vmem>>)
      tpu.yield
    }) : () -> ()
    %iota3A = tpu.iota {dimensions = array<i32: 0>} : vector<16xi32>
    %mul3A_3 = arith.constant 128 : i32
    %mul3A_4 = arith.muli %mul3A_2, %mul3A_3 : i32
    %dma_start3A = tpu.memref_slice %arg2[%mul3A_4] : memref<2097152xf32, #tpu.memory_space<hbm>> -> memref<65536xf32, #tpu.memory_space<hbm>>
    %dma_start3A_5 = tpu.memref_slice %arg2[%mul3A_4] : memref<2097152xf32, #tpu.memory_space<hbm>> -> memref<65536xf32, #tpu.memory_space<hbm>>
    tpu.enqueue_dma source(%dma_start3A_5 : memref<65536xf32, #tpu.memory_space<hbm>>) target(%arg7 : memref<65536xf32, #tpu.memory_space<vmem>>) target_semaphore(%arg13 : memref<!tpu.dma_semaphore, #tpu.memory_space<semaphore_mem>>)
    %dma_start3A_6 = arith.constant 0 : i32
    %dma_start3A_7 = arith.constant 0 : i32
    %dma_start3A_8 = tpu.memref_slice %arg6[%dma_start3A_6, %dma_start3A_7] : memref<4x128xi32, #tpu.memory_space<vmem>> -> memref<1x128xi32, #tpu.memory_space<vmem>>
    %dma_start3A_9 = tpu.memref_squeeze %dma_start3A_8 : memref<1x128xi32, #tpu.memory_space<vmem>> -> memref<128xi32, #tpu.memory_space<vmem>>
    %dma_start3A_10 = arith.constant 0 : i32
    %dma_start3A_11 = arith.constant 0 : i32
    %dma_start3A_12 = tpu.memref_slice %arg4[%dma_start3A_10, %dma_start3A_11] : memref<100000x128xf32, #tpu.memory_space<hbm>> -> memref<100000x128xf32, #tpu.memory_space<hbm>>
    tpu.enqueue_indirect_dma source(%dma_start3A_12 : memref<100000x128xf32, #tpu.memory_space<hbm>>) target(%arg8 : memref<128x128xf32, #tpu.memory_space<vmem>>) offsets(%dma_start3A_9 : memref<128xi32, #tpu.memory_space<vmem>>) semaphore(%arg11 : memref<!tpu.dma_semaphore, #tpu.memory_space<semaphore_mem>>)
    %dma_wait3A = tpu.memref_slice %arg2[%mul3A_4] : memref<2097152xf32, #tpu.memory_space<hbm>> -> memref<65536xf32, #tpu.memory_space<hbm>>
    %dma_wait3A_13 = tpu.memref_slice %arg2[%mul3A_4] : memref<2097152xf32, #tpu.memory_space<hbm>> -> memref<65536xf32, #tpu.memory_space<hbm>>
    tpu.wait_dma2 semaphore(%arg13 : memref<!tpu.dma_semaphore, #tpu.memory_space<semaphore_mem>>) src(%dma_wait3A_13 : memref<65536xf32, #tpu.memory_space<hbm>>) dst(%arg7 : memref<65536xf32, #tpu.memory_space<vmem>>)
    %dma_wait3A_14 = arith.constant 0 : i32
    %dma_wait3A_15 = arith.constant 0 : i32
    %dma_wait3A_16 = tpu.memref_slice %arg6[%dma_wait3A_14, %dma_wait3A_15] : memref<4x128xi32, #tpu.memory_space<vmem>> -> memref<1x128xi32, #tpu.memory_space<vmem>>
    %dma_wait3A_17 = tpu.memref_squeeze %dma_wait3A_16 : memref<1x128xi32, #tpu.memory_space<vmem>> -> memref<128xi32, #tpu.memory_space<vmem>>
    %dma_wait3A_18 = arith.constant 0 : i32
    %dma_wait3A_19 = arith.constant 0 : i32
    %dma_wait3A_20 = tpu.memref_slice %arg4[%dma_wait3A_18, %dma_wait3A_19] : memref<100000x128xf32, #tpu.memory_space<hbm>> -> memref<100000x128xf32, #tpu.memory_space<hbm>>
    tpu.wait_indirect_dma semaphore(%arg11 : memref<!tpu.dma_semaphore, #tpu.memory_space<semaphore_mem>>) src(%dma_wait3A_20 : memref<100000x128xf32, #tpu.memory_space<hbm>>) dst(%arg8 : memref<128x128xf32, #tpu.memory_space<vmem>>)
    %dma_start3A_21 = arith.constant 1 : i32
    %dma_start3A_22 = arith.constant 0 : i32
    %dma_start3A_23 = tpu.memref_slice %arg6[%dma_start3A_21, %dma_start3A_22] : memref<4x128xi32, #tpu.memory_space<vmem>> -> memref<1x128xi32, #tpu.memory_space<vmem>>
    %dma_start3A_24 = tpu.memref_squeeze %dma_start3A_23 : memref<1x128xi32, #tpu.memory_space<vmem>> -> memref<128xi32, #tpu.memory_space<vmem>>
    %dma_start3A_25 = arith.constant 0 : i32
    %dma_start3A_26 = arith.constant 0 : i32
    %dma_start3A_27 = tpu.memref_slice %arg4[%dma_start3A_25, %dma_start3A_26] : memref<100000x128xf32, #tpu.memory_space<hbm>> -> memref<100000x128xf32, #tpu.memory_space<hbm>>
    tpu.enqueue_indirect_dma source(%dma_start3A_27 : memref<100000x128xf32, #tpu.memory_space<hbm>>) target(%arg9 : memref<128x128xf32, #tpu.memory_space<vmem>>) offsets(%dma_start3A_24 : memref<128xi32, #tpu.memory_space<vmem>>) semaphore(%arg12 : memref<!tpu.dma_semaphore, #tpu.memory_space<semaphore_mem>>)
    %scan3A = arith.constant 0 : i32
    %scan3A_28 = arith.constant 0 : i32
    %scan3A_29 = arith.constant 8 : i32
    %scan3A_30 = arith.addi %scan3A_28, %scan3A_29 : i32
    %scan3A_31 = arith.constant 1 : i32
    %scan3A_32 = scf.for %scan3A_90 = %scan3A_28 to %scan3A_30 step %scan3A_31 iter_args(%scan3A_91 = %scan3A) -> (i32)  : i32 {
      %mul3A_92 = arith.constant 16 : i32
      %mul3A_93 = arith.muli %scan3A_90, %mul3A_92 : i32
      %add3A_94 = vector.broadcast %mul3A_93 : i32 to vector<16xi32>
      %add3A_95 = arith.addi %iota3A, %add3A_94 : vector<16xi32>
      %add3A_96 = arith.constant 0 : i32
      %add3A_97 = vector.broadcast %add3A_96 : i32 to vector<16xi32>
      %add3A_98 = arith.addi %add3A_95, %add3A_97 : vector<16xi32>
      %mul3A_99 = arith.constant 128 : i32
      %mul3A_100 = vector.broadcast %mul3A_99 : i32 to vector<16xi32>
      %mul3A_101 = arith.muli %add3A_98, %mul3A_100 : vector<16xi32>
      %broadcast_in_dim3A = arith.constant 0.000000e+00 : f32
      %broadcast_in_dim3A_102 = vector.broadcast %broadcast_in_dim3A : f32 to vector<16xf32>
      %scan3A_103 = arith.constant 0 : i32
      %scan3A_104 = arith.constant 8 : i32
      %scan3A_105 = arith.addi %scan3A_103, %scan3A_104 : i32
      %scan3A_106 = arith.constant 1 : i32
      %scan3A_107:8 = scf.for %scan3A_152 = %scan3A_103 to %scan3A_105 step %scan3A_106 iter_args(%scan3A_153 = %broadcast_in_dim3A_102, %scan3A_154 = %broadcast_in_dim3A_102, %scan3A_155 = %broadcast_in_dim3A_102, %scan3A_156 = %broadcast_in_dim3A_102, %scan3A_157 = %broadcast_in_dim3A_102, %scan3A_158 = %broadcast_in_dim3A_102, %scan3A_159 = %broadcast_in_dim3A_102, %scan3A_160 = %broadcast_in_dim3A_102) -> (vector<16xf32>, vector<16xf32>, vector<16xf32>, vector<16xf32>, vector<16xf32>, vector<16xf32>, vector<16xf32>, vector<16xf32>)  : i32 {
        %mul3A_161 = arith.constant 16 : i32
        %mul3A_162 = arith.muli %scan3A_152, %mul3A_161 : i32
        %add3A_163 = arith.constant 0 : i32
        %add3A_164 = arith.addi %mul3A_162, %add3A_163 : i32
        %add3A_165 = vector.broadcast %add3A_164 : i32 to vector<16xi32>
        %add3A_166 = arith.addi %iota3A, %add3A_165 : vector<16xi32>
        %and3A = arith.constant 127 : i32
        %and3A_167 = vector.broadcast %and3A : i32 to vector<16xi32>
        %and3A_168 = arith.andi %add3A_166, %and3A_167 : vector<16xi32>
        %add3A_169 = arith.addi %mul3A_101, %and3A_168 : vector<16xi32>
        %gather3A = tpu.vector_load_idx %arg7[%add3A_169] : memref<65536xf32, #tpu.memory_space<vmem>>[vector<16xi32>], vector<16xf32>,
        %gather3A_170 = tpu.vector_load_idx %arg8[%add3A_95, %and3A_168] : memref<128x128xf32, #tpu.memory_space<vmem>>[vector<16xi32>, vector<16xi32>], vector<16xf32>,
        %sub3A_171 = arith.subf %gather3A, %gather3A_170 : vector<16xf32>
        %mul3A_172 = arith.mulf %sub3A_171, %sub3A_171 : vector<16xf32>
        %add3A_173 = arith.addf %scan3A_153, %mul3A_172 : vector<16xf32>
        %mul3A_174 = arith.constant 16 : i32
        %mul3A_175 = arith.muli %scan3A_152, %mul3A_174 : i32
        %add3A_176 = arith.constant 1 : i32
        %add3A_177 = arith.addi %mul3A_175, %add3A_176 : i32
        %add3A_178 = vector.broadcast %add3A_177 : i32 to vector<16xi32>
        %add3A_179 = arith.addi %iota3A, %add3A_178 : vector<16xi32>
        %and3A_180 = arith.constant 127 : i32
        %and3A_181 = vector.broadcast %and3A_180 : i32 to vector<16xi32>
        %and3A_182 = arith.andi %add3A_179, %and3A_181 : vector<16xi32>
        %add3A_183 = arith.addi %mul3A_101, %and3A_182 : vector<16xi32>
        %gather3A_184 = tpu.vector_load_idx %arg7[%add3A_183] : memref<65536xf32, #tpu.memory_space<vmem>>[vector<16xi32>], vector<16xf32>,
        %gather3A_185 = tpu.vector_load_idx %arg8[%add3A_95, %and3A_182] : memref<128x128xf32, #tpu.memory_space<vmem>>[vector<16xi32>, vector<16xi32>], vector<16xf32>,
        %sub3A_186 = arith.subf %gather3A_184, %gather3A_185 : vector<16xf32>
        %mul3A_187 = arith.mulf %sub3A_186, %sub3A_186 : vector<16xf32>
        %add3A_188 = arith.addf %scan3A_154, %mul3A_187 : vector<16xf32>
        %mul3A_189 = arith.constant 16 : i32
        %mul3A_190 = arith.muli %scan3A_152, %mul3A_189 : i32
        %add3A_191 = arith.constant 2 : i32
        %add3A_192 = arith.addi %mul3A_190, %add3A_191 : i32
        %add3A_193 = vector.broadcast %add3A_192 : i32 to vector<16xi32>
        %add3A_194 = arith.addi %iota3A, %add3A_193 : vector<16xi32>
        %and3A_195 = arith.constant 127 : i32
        %and3A_196 = vector.broadcast %and3A_195 : i32 to vector<16xi32>
        %and3A_197 = arith.andi %add3A_194, %and3A_196 : vector<16xi32>
        %add3A_198 = arith.addi %mul3A_101, %and3A_197 : vector<16xi32>
        %gather3A_199 = tpu.vector_load_idx %arg7[%add3A_198] : memref<65536xf32, #tpu.memory_space<vmem>>[vector<16xi32>], vector<16xf32>,
        %gather3A_200 = tpu.vector_load_idx %arg8[%add3A_95, %and3A_197] : memref<128x128xf32, #tpu.memory_space<vmem>>[vector<16xi32>, vector<16xi32>], vector<16xf32>,
        %sub3A_201 = arith.subf %gather3A_199, %gather3A_200 : vector<16xf32>
        %mul3A_202 = arith.mulf %sub3A_201, %sub3A_201 : vector<16xf32>
        %add3A_203 = arith.addf %scan3A_155, %mul3A_202 : vector<16xf32>
        %mul3A_204 = arith.constant 16 : i32
        %mul3A_205 = arith.muli %scan3A_152, %mul3A_204 : i32
        %add3A_206 = arith.constant 3 : i32
        %add3A_207 = arith.addi %mul3A_205, %add3A_206 : i32
        %add3A_208 = vector.broadcast %add3A_207 : i32 to vector<16xi32>
        %add3A_209 = arith.addi %iota3A, %add3A_208 : vector<16xi32>
        %and3A_210 = arith.constant 127 : i32
        %and3A_211 = vector.broadcast %and3A_210 : i32 to vector<16xi32>
        %and3A_212 = arith.andi %add3A_209, %and3A_211 : vector<16xi32>
        %add3A_213 = arith.addi %mul3A_101, %and3A_212 : vector<16xi32>
        %gather3A_214 = tpu.vector_load_idx %arg7[%add3A_213] : memref<65536xf32, #tpu.memory_space<vmem>>[vector<16xi32>], vector<16xf32>,
        %gather3A_215 = tpu.vector_load_idx %arg8[%add3A_95, %and3A_212] : memref<128x128xf32, #tpu.memory_space<vmem>>[vector<16xi32>, vector<16xi32>], vector<16xf32>,
        %sub3A_216 = arith.subf %gather3A_214, %gather3A_215 : vector<16xf32>
        %mul3A_217 = arith.mulf %sub3A_216, %sub3A_216 : vector<16xf32>
        %add3A_218 = arith.addf %scan3A_156, %mul3A_217 : vector<16xf32>
        %mul3A_219 = arith.constant 16 : i32
        %mul3A_220 = arith.muli %scan3A_152, %mul3A_219 : i32
        %add3A_221 = arith.constant 4 : i32
        %add3A_222 = arith.addi %mul3A_220, %add3A_221 : i32
        %add3A_223 = vector.broadcast %add3A_222 : i32 to vector<16xi32>
        %add3A_224 = arith.addi %iota3A, %add3A_223 : vector<16xi32>
        %and3A_225 = arith.constant 127 : i32
        %and3A_226 = vector.broadcast %and3A_225 : i32 to vector<16xi32>
        %and3A_227 = arith.andi %add3A_224, %and3A_226 : vector<16xi32>
        %add3A_228 = arith.addi %mul3A_101, %and3A_227 : vector<16xi32>
        %gather3A_229 = tpu.vector_load_idx %arg7[%add3A_228] : memref<65536xf32, #tpu.memory_space<vmem>>[vector<16xi32>], vector<16xf32>,
        %gather3A_230 = tpu.vector_load_idx %arg8[%add3A_95, %and3A_227] : memref<128x128xf32, #tpu.memory_space<vmem>>[vector<16xi32>, vector<16xi32>], vector<16xf32>,
        %sub3A_231 = arith.subf %gather3A_229, %gather3A_230 : vector<16xf32>
        %mul3A_232 = arith.mulf %sub3A_231, %sub3A_231 : vector<16xf32>
        %add3A_233 = arith.addf %scan3A_157, %mul3A_232 : vector<16xf32>
        %mul3A_234 = arith.constant 16 : i32
        %mul3A_235 = arith.muli %scan3A_152, %mul3A_234 : i32
        %add3A_236 = arith.constant 5 : i32
        %add3A_237 = arith.addi %mul3A_235, %add3A_236 : i32
        %add3A_238 = vector.broadcast %add3A_237 : i32 to vector<16xi32>
        %add3A_239 = arith.addi %iota3A, %add3A_238 : vector<16xi32>
        %and3A_240 = arith.constant 127 : i32
        %and3A_241 = vector.broadcast %and3A_240 : i32 to vector<16xi32>
        %and3A_242 = arith.andi %add3A_239, %and3A_241 : vector<16xi32>
        %add3A_243 = arith.addi %mul3A_101, %and3A_242 : vector<16xi32>
        %gather3A_244 = tpu.vector_load_idx %arg7[%add3A_243] : memref<65536xf32, #tpu.memory_space<vmem>>[vector<16xi32>], vector<16xf32>,
        %gather3A_245 = tpu.vector_load_idx %arg8[%add3A_95, %and3A_242] : memref<128x128xf32, #tpu.memory_space<vmem>>[vector<16xi32>, vector<16xi32>], vector<16xf32>,
        %sub3A_246 = arith.subf %gather3A_244, %gather3A_245 : vector<16xf32>
        %mul3A_247 = arith.mulf %sub3A_246, %sub3A_246 : vector<16xf32>
        %add3A_248 = arith.addf %scan3A_158, %mul3A_247 : vector<16xf32>
        %mul3A_249 = arith.constant 16 : i32
        %mul3A_250 = arith.muli %scan3A_152, %mul3A_249 : i32
        %add3A_251 = arith.constant 6 : i32
        %add3A_252 = arith.addi %mul3A_250, %add3A_251 : i32
        %add3A_253 = vector.broadcast %add3A_252 : i32 to vector<16xi32>
        %add3A_254 = arith.addi %iota3A, %add3A_253 : vector<16xi32>
        %and3A_255 = arith.constant 127 : i32
        %and3A_256 = vector.broadcast %and3A_255 : i32 to vector<16xi32>
        %and3A_257 = arith.andi %add3A_254, %and3A_256 : vector<16xi32>
        %add3A_258 = arith.addi %mul3A_101, %and3A_257 : vector<16xi32>
        %gather3A_259 = tpu.vector_load_idx %arg7[%add3A_258] : memref<65536xf32, #tpu.memory_space<vmem>>[vector<16xi32>], vector<16xf32>,
        %gather3A_260 = tpu.vector_load_idx %arg8[%add3A_95, %and3A_257] : memref<128x128xf32, #tpu.memory_space<vmem>>[vector<16xi32>, vector<16xi32>], vector<16xf32>,
        %sub3A_261 = arith.subf %gather3A_259, %gather3A_260 : vector<16xf32>
        %mul3A_262 = arith.mulf %sub3A_261, %sub3A_261 : vector<16xf32>
        %add3A_263 = arith.addf %scan3A_159, %mul3A_262 : vector<16xf32>
        %mul3A_264 = arith.constant 16 : i32
        %mul3A_265 = arith.muli %scan3A_152, %mul3A_264 : i32
        %add3A_266 = arith.constant 7 : i32
        %add3A_267 = arith.addi %mul3A_265, %add3A_266 : i32
        %add3A_268 = vector.broadcast %add3A_267 : i32 to vector<16xi32>
        %add3A_269 = arith.addi %iota3A, %add3A_268 : vector<16xi32>
        %and3A_270 = arith.constant 127 : i32
        %and3A_271 = vector.broadcast %and3A_270 : i32 to vector<16xi32>
        %and3A_272 = arith.andi %add3A_269, %and3A_271 : vector<16xi32>
        %add3A_273 = arith.addi %mul3A_101, %and3A_272 : vector<16xi32>
        %gather3A_274 = tpu.vector_load_idx %arg7[%add3A_273] : memref<65536xf32, #tpu.memory_space<vmem>>[vector<16xi32>], vector<16xf32>,
        %gather3A_275 = tpu.vector_load_idx %arg8[%add3A_95, %and3A_272] : memref<128x128xf32, #tpu.memory_space<vmem>>[vector<16xi32>, vector<16xi32>], vector<16xf32>,
        %sub3A_276 = arith.subf %gather3A_274, %gather3A_275 : vector<16xf32>
        %mul3A_277 = arith.mulf %sub3A_276, %sub3A_276 : vector<16xf32>
        %add3A_278 = arith.addf %scan3A_160, %mul3A_277 : vector<16xf32>
        %mul3A_279 = arith.constant 16 : i32
        %mul3A_280 = arith.muli %scan3A_152, %mul3A_279 : i32
        %add3A_281 = arith.constant 8 : i32
        %add3A_282 = arith.addi %mul3A_280, %add3A_281 : i32
        %add3A_283 = vector.broadcast %add3A_282 : i32 to vector<16xi32>
        %add3A_284 = arith.addi %iota3A, %add3A_283 : vector<16xi32>
        %and3A_285 = arith.constant 127 : i32
        %and3A_286 = vector.broadcast %and3A_285 : i32 to vector<16xi32>
        %and3A_287 = arith.andi %add3A_284, %and3A_286 : vector<16xi32>
        %add3A_288 = arith.addi %mul3A_101, %and3A_287 : vector<16xi32>
        %gather3A_289 = tpu.vector_load_idx %arg7[%add3A_288] : memref<65536xf32, #tpu.memory_space<vmem>>[vector<16xi32>], vector<16xf32>,
        %gather3A_290 = tpu.vector_load_idx %arg8[%add3A_95, %and3A_287] : memref<128x128xf32, #tpu.memory_space<vmem>>[vector<16xi32>, vector<16xi32>], vector<16xf32>,
        %sub3A_291 = arith.subf %gather3A_289, %gather3A_290 : vector<16xf32>
        %mul3A_292 = arith.mulf %sub3A_291, %sub3A_291 : vector<16xf32>
        %add3A_293 = arith.addf %add3A_173, %mul3A_292 : vector<16xf32>
        %mul3A_294 = arith.constant 16 : i32
        %mul3A_295 = arith.muli %scan3A_152, %mul3A_294 : i32
        %add3A_296 = arith.constant 9 : i32
        %add3A_297 = arith.addi %mul3A_295, %add3A_296 : i32
        %add3A_298 = vector.broadcast %add3A_297 : i32 to vector<16xi32>
        %add3A_299 = arith.addi %iota3A, %add3A_298 : vector<16xi32>
        %and3A_300 = arith.constant 127 : i32
        %and3A_301 = vector.broadcast %and3A_300 : i32 to vector<16xi32>
        %and3A_302 = arith.andi %add3A_299, %and3A_301 : vector<16xi32>
        %add3A_303 = arith.addi %mul3A_101, %and3A_302 : vector<16xi32>
        %gather3A_304 = tpu.vector_load_idx %arg7[%add3A_303] : memref<65536xf32, #tpu.memory_space<vmem>>[vector<16xi32>], vector<16xf32>,
        %gather3A_305 = tpu.vector_load_idx %arg8[%add3A_95, %and3A_302] : memref<128x128xf32, #tpu.memory_space<vmem>>[vector<16xi32>, vector<16xi32>], vector<16xf32>,
        %sub3A_306 = arith.subf %gather3A_304, %gather3A_305 : vector<16xf32>
        %mul3A_307 = arith.mulf %sub3A_306, %sub3A_306 : vector<16xf32>
        %add3A_308 = arith.addf %add3A_188, %mul3A_307 : vector<16xf32>
        %mul3A_309 = arith.constant 16 : i32
        %mul3A_310 = arith.muli %scan3A_152, %mul3A_309 : i32
        %add3A_311 = arith.constant 10 : i32
        %add3A_312 = arith.addi %mul3A_310, %add3A_311 : i32
        %add3A_313 = vector.broadcast %add3A_312 : i32 to vector<16xi32>
        %add3A_314 = arith.addi %iota3A, %add3A_313 : vector<16xi32>
        %and3A_315 = arith.constant 127 : i32
        %and3A_316 = vector.broadcast %and3A_315 : i32 to vector<16xi32>
        %and3A_317 = arith.andi %add3A_314, %and3A_316 : vector<16xi32>
        %add3A_318 = arith.addi %mul3A_101, %and3A_317 : vector<16xi32>
        %gather3A_319 = tpu.vector_load_idx %arg7[%add3A_318] : memref<65536xf32, #tpu.memory_space<vmem>>[vector<16xi32>], vector<16xf32>,
        %gather3A_320 = tpu.vector_load_idx %arg8[%add3A_95, %and3A_317] : memref<128x128xf32, #tpu.memory_space<vmem>>[vector<16xi32>, vector<16xi32>], vector<16xf32>,
        %sub3A_321 = arith.subf %gather3A_319, %gather3A_320 : vector<16xf32>
        %mul3A_322 = arith.mulf %sub3A_321, %sub3A_321 : vector<16xf32>
        %add3A_323 = arith.addf %add3A_203, %mul3A_322 : vector<16xf32>
        %mul3A_324 = arith.constant 16 : i32
        %mul3A_325 = arith.muli %scan3A_152, %mul3A_324 : i32
        %add3A_326 = arith.constant 11 : i32
        %add3A_327 = arith.addi %mul3A_325, %add3A_326 : i32
        %add3A_328 = vector.broadcast %add3A_327 : i32 to vector<16xi32>
        %add3A_329 = arith.addi %iota3A, %add3A_328 : vector<16xi32>
        %and3A_330 = arith.constant 127 : i32
        %and3A_331 = vector.broadcast %and3A_330 : i32 to vector<16xi32>
        %and3A_332 = arith.andi %add3A_329, %and3A_331 : vector<16xi32>
        %add3A_333 = arith.addi %mul3A_101, %and3A_332 : vector<16xi32>
        %gather3A_334 = tpu.vector_load_idx %arg7[%add3A_333] : memref<65536xf32, #tpu.memory_space<vmem>>[vector<16xi32>], vector<16xf32>,
        %gather3A_335 = tpu.vector_load_idx %arg8[%add3A_95, %and3A_332] : memref<128x128xf32, #tpu.memory_space<vmem>>[vector<16xi32>, vector<16xi32>], vector<16xf32>,
        %sub3A_336 = arith.subf %gather3A_334, %gather3A_335 : vector<16xf32>
        %mul3A_337 = arith.mulf %sub3A_336, %sub3A_336 : vector<16xf32>
        %add3A_338 = arith.addf %add3A_218, %mul3A_337 : vector<16xf32>
        %mul3A_339 = arith.constant 16 : i32
        %mul3A_340 = arith.muli %scan3A_152, %mul3A_339 : i32
        %add3A_341 = arith.constant 12 : i32
        %add3A_342 = arith.addi %mul3A_340, %add3A_341 : i32
        %add3A_343 = vector.broadcast %add3A_342 : i32 to vector<16xi32>
        %add3A_344 = arith.addi %iota3A, %add3A_343 : vector<16xi32>
        %and3A_345 = arith.constant 127 : i32
        %and3A_346 = vector.broadcast %and3A_345 : i32 to vector<16xi32>
        %and3A_347 = arith.andi %add3A_344, %and3A_346 : vector<16xi32>
        %add3A_348 = arith.addi %mul3A_101, %and3A_347 : vector<16xi32>
        %gather3A_349 = tpu.vector_load_idx %arg7[%add3A_348] : memref<65536xf32, #tpu.memory_space<vmem>>[vector<16xi32>], vector<16xf32>,
        %gather3A_350 = tpu.vector_load_idx %arg8[%add3A_95, %and3A_347] : memref<128x128xf32, #tpu.memory_space<vmem>>[vector<16xi32>, vector<16xi32>], vector<16xf32>,
        %sub3A_351 = arith.subf %gather3A_349, %gather3A_350 : vector<16xf32>
        %mul3A_352 = arith.mulf %sub3A_351, %sub3A_351 : vector<16xf32>
        %add3A_353 = arith.addf %add3A_233, %mul3A_352 : vector<16xf32>
        %mul3A_354 = arith.constant 16 : i32
        %mul3A_355 = arith.muli %scan3A_152, %mul3A_354 : i32
        %add3A_356 = arith.constant 13 : i32
        %add3A_357 = arith.addi %mul3A_355, %add3A_356 : i32
        %add3A_358 = vector.broadcast %add3A_357 : i32 to vector<16xi32>
        %add3A_359 = arith.addi %iota3A, %add3A_358 : vector<16xi32>
        %and3A_360 = arith.constant 127 : i32
        %and3A_361 = vector.broadcast %and3A_360 : i32 to vector<16xi32>
        %and3A_362 = arith.andi %add3A_359, %and3A_361 : vector<16xi32>
        %add3A_363 = arith.addi %mul3A_101, %and3A_362 : vector<16xi32>
        %gather3A_364 = tpu.vector_load_idx %arg7[%add3A_363] : memref<65536xf32, #tpu.memory_space<vmem>>[vector<16xi32>], vector<16xf32>,
        %gather3A_365 = tpu.vector_load_idx %arg8[%add3A_95, %and3A_362] : memref<128x128xf32, #tpu.memory_space<vmem>>[vector<16xi32>, vector<16xi32>], vector<16xf32>,
        %sub3A_366 = arith.subf %gather3A_364, %gather3A_365 : vector<16xf32>
        %mul3A_367 = arith.mulf %sub3A_366, %sub3A_366 : vector<16xf32>
        %add3A_368 = arith.addf %add3A_248, %mul3A_367 : vector<16xf32>
        %mul3A_369 = arith.constant 16 : i32
        %mul3A_370 = arith.muli %scan3A_152, %mul3A_369 : i32
        %add3A_371 = arith.constant 14 : i32
        %add3A_372 = arith.addi %mul3A_370, %add3A_371 : i32
        %add3A_373 = vector.broadcast %add3A_372 : i32 to vector<16xi32>
        %add3A_374 = arith.addi %iota3A, %add3A_373 : vector<16xi32>
        %and3A_375 = arith.constant 127 : i32
        %and3A_376 = vector.broadcast %and3A_375 : i32 to vector<16xi32>
        %and3A_377 = arith.andi %add3A_374, %and3A_376 : vector<16xi32>
        %add3A_378 = arith.addi %mul3A_101, %and3A_377 : vector<16xi32>
        %gather3A_379 = tpu.vector_load_idx %arg7[%add3A_378] : memref<65536xf32, #tpu.memory_space<vmem>>[vector<16xi32>], vector<16xf32>,
        %gather3A_380 = tpu.vector_load_idx %arg8[%add3A_95, %and3A_377] : memref<128x128xf32, #tpu.memory_space<vmem>>[vector<16xi32>, vector<16xi32>], vector<16xf32>,
        %sub3A_381 = arith.subf %gather3A_379, %gather3A_380 : vector<16xf32>
        %mul3A_382 = arith.mulf %sub3A_381, %sub3A_381 : vector<16xf32>
        %add3A_383 = arith.addf %add3A_263, %mul3A_382 : vector<16xf32>
        %mul3A_384 = arith.constant 16 : i32
        %mul3A_385 = arith.muli %scan3A_152, %mul3A_384 : i32
        %add3A_386 = arith.constant 15 : i32
        %add3A_387 = arith.addi %mul3A_385, %add3A_386 : i32
        %add3A_388 = vector.broadcast %add3A_387 : i32 to vector<16xi32>
        %add3A_389 = arith.addi %iota3A, %add3A_388 : vector<16xi32>
        %and3A_390 = arith.constant 127 : i32
        %and3A_391 = vector.broadcast %and3A_390 : i32 to vector<16xi32>
        %and3A_392 = arith.andi %add3A_389, %and3A_391 : vector<16xi32>
        %add3A_393 = arith.addi %mul3A_101, %and3A_392 : vector<16xi32>
        %gather3A_394 = tpu.vector_load_idx %arg7[%add3A_393] : memref<65536xf32, #tpu.memory_space<vmem>>[vector<16xi32>], vector<16xf32>,
        %gather3A_395 = tpu.vector_load_idx %arg8[%add3A_95, %and3A_392] : memref<128x128xf32, #tpu.memory_space<vmem>>[vector<16xi32>, vector<16xi32>], vector<16xf32>,
        %sub3A_396 = arith.subf %gather3A_394, %gather3A_395 : vector<16xf32>
        %mul3A_397 = arith.mulf %sub3A_396, %sub3A_396 : vector<16xf32>
        %add3A_398 = arith.addf %add3A_278, %mul3A_397 : vector<16xf32>
        scf.yield %add3A_293, %add3A_308, %add3A_323, %add3A_338, %add3A_353, %add3A_368, %add3A_383, %add3A_398 : vector<16xf32>, vector<16xf32>, vector<16xf32>, vector<16xf32>, vector<16xf32>, vector<16xf32>, vector<16xf32>, vector<16xf32>
      }
      %scan3A_108 = arith.constant 8 : i32
      %add3A_109 = arith.addf %scan3A_107#0, %scan3A_107#1 : vector<16xf32>
      %add3A_110 = arith.addf %scan3A_107#2, %scan3A_107#3 : vector<16xf32>
      %add3A_111 = arith.addf %scan3A_107#4, %scan3A_107#5 : vector<16xf32>
      %add3A_112 = arith.addf %scan3A_107#6, %scan3A_107#7 : vector<16xf32>
      %add3A_113 = arith.addf %add3A_109, %add3A_110 : vector<16xf32>
      %add3A_114 = arith.addf %add3A_111, %add3A_112 : vector<16xf32>
      %add3A_115 = arith.addf %add3A_113, %add3A_114 : vector<16xf32>
      %bitcast3A = vector.bitcast %add3A_115 : vector<16xf32> to vector<16xi32>
      %shift_right_logical3A = arith.constant 1 : i32
      %shift_right_logical3A_116 = vector.broadcast %shift_right_logical3A : i32 to vector<16xi32>
      %shift_right_logical3A_117 = arith.shrui %bitcast3A, %shift_right_logical3A_116 : vector<16xi32>
      %sub3A = arith.constant 1597463007 : i32
      %sub3A_118 = vector.broadcast %sub3A : i32 to vector<16xi32>
      %sub3A_119 = arith.subi %sub3A_118, %shift_right_logical3A_117 : vector<16xi32>
      %bitcast3A_120 = vector.bitcast %sub3A_119 : vector<16xi32> to vector<16xf32>
      %mul3A_121 = arith.constant 5.000000e-01 : f32
      %mul3A_122 = vector.broadcast %mul3A_121 : f32 to vector<16xf32>
      %mul3A_123 = arith.mulf %add3A_115, %mul3A_122 : vector<16xf32>
      %mul3A_124 = arith.mulf %mul3A_123, %bitcast3A_120 : vector<16xf32>
      %mul3A_125 = arith.mulf %mul3A_124, %bitcast3A_120 : vector<16xf32>
      %sub3A_126 = arith.constant 1.500000e+00 : f32
      %sub3A_127 = vector.broadcast %sub3A_126 : f32 to vector<16xf32>
      %sub3A_128 = arith.subf %sub3A_127, %mul3A_125 : vector<16xf32>
      %mul3A_129 = arith.mulf %bitcast3A_120, %sub3A_128 : vector<16xf32>
      %mul3A_130 = arith.mulf %mul3A_123, %mul3A_129 : vector<16xf32>
      %mul3A_131 = arith.mulf %mul3A_130, %mul3A_129 : vector<16xf32>
      %sub3A_132 = arith.constant 1.500000e+00 : f32
      %sub3A_133 = vector.broadcast %sub3A_132 : f32 to vector<16xf32>
      %sub3A_134 = arith.subf %sub3A_133, %mul3A_131 : vector<16xf32>
      %mul3A_135 = arith.mulf %mul3A_129, %sub3A_134 : vector<16xf32>
      %mul3A_136 = arith.mulf %mul3A_123, %mul3A_135 : vector<16xf32>
      %mul3A_137 = arith.mulf %mul3A_136, %mul3A_135 : vector<16xf32>
      %sub3A_138 = arith.constant 1.500000e+00 : f32
      %sub3A_139 = vector.broadcast %sub3A_138 : f32 to vector<16xf32>
      %sub3A_140 = arith.subf %sub3A_139, %mul3A_137 : vector<16xf32>
      %mul3A_141 = arith.mulf %mul3A_135, %sub3A_140 : vector<16xf32>
      %mul3A_142 = arith.mulf %add3A_115, %mul3A_141 : vector<16xf32>
      %mul3A_143 = arith.constant 7.812500e-03 : f32
      %mul3A_144 = vector.broadcast %mul3A_143 : f32 to vector<16xf32>
      %mul3A_145 = arith.mulf %mul3A_142, %mul3A_144 : vector<16xf32>
      %mul3A_146 = arith.constant 16 : i32
      %mul3A_147 = arith.muli %scan3A_90, %mul3A_146 : i32
      %add3A_148 = arith.constant 0 : i32
      %add3A_149 = arith.addi %add3A_148, %mul3A_147 : i32
      %swap3A = arith.index_cast %add3A_149 : i32 to index
      %swap3A_150 = tpu.vector_load %arg10[%swap3A] {strides = array<i32>} : memref<512xf32, #tpu.memory_space<vmem>>, vector<16xf32>,
      tpu.vector_store %arg10[%swap3A], %mul3A_145 {strides = array<i32>} : memref<512xf32, #tpu.memory_space<vmem>>, vector<16xf32>,
      %scan3A_151 = arith.constant 0 : i32
      scf.yield %scan3A_151 : i32
    }
    %scan3A_33 = arith.constant 8 : i32
    %dma_wait3A_34 = arith.constant 1 : i32
    %dma_wait3A_35 = arith.constant 0 : i32
    %dma_wait3A_36 = tpu.memref_slice %arg6[%dma_wait3A_34, %dma_wait3A_35] : memref<4x128xi32, #tpu.memory_space<vmem>> -> memref<1x128xi32, #tpu.memory_space<vmem>>
    %dma_wait3A_37 = tpu.memref_squeeze %dma_wait3A_36 : memref<1x128xi32, #tpu.memory_space<vmem>> -> memref<128xi32, #tpu.memory_space<vmem>>
    %dma_wait3A_38 = arith.constant 0 : i32
    %dma_wait3A_39 = arith.constant 0 : i32
    %dma_wait3A_40 = tpu.memref_slice %arg4[%dma_wait3A_38, %dma_wait3A_39] : memref<100000x128xf32, #tpu.memory_space<hbm>> -> memref<100000x128xf32, #tpu.memory_space<hbm>>
    tpu.wait_indirect_dma semaphore(%arg12 : memref<!tpu.dma_semaphore, #tpu.memory_space<semaphore_mem>>) src(%dma_wait3A_40 : memref<100000x128xf32, #tpu.memory_space<hbm>>) dst(%arg9 : memref<128x128xf32, #tpu.memory_space<vmem>>)
    %dma_start3A_41 = arith.constant 2 : i32
    %dma_start3A_42 = arith.constant 0 : i32
    %dma_start3A_43 = tpu.memref_slice %arg6[%dma_start3A_41, %dma_start3A_42] : memref<4x128xi32, #tpu.memory_space<vmem>> -> memref<1x128xi32, #tpu.memory_space<vmem>>
    %dma_start3A_44 = tpu.memref_squeeze %dma_start3A_43 : memref<1x128xi32, #tpu.memory_space<vmem>> -> memref<128xi32, #tpu.memory_space<vmem>>
    %dma_start3A_45 = arith.constant 0 : i32
    %dma_start3A_46 = arith.constant 0 : i32
    %dma_start3A_47 = tpu.memref_slice %arg4[%dma_start3A_45, %dma_start3A_46] : memref<100000x128xf32, #tpu.memory_space<hbm>> -> memref<100000x128xf32, #tpu.memory_space<hbm>>
    tpu.enqueue_indirect_dma source(%dma_start3A_47 : memref<100000x128xf32, #tpu.memory_space<hbm>>) target(%arg8 : memref<128x128xf32, #tpu.memory_space<vmem>>) offsets(%dma_start3A_44 : memref<128xi32, #tpu.memory_space<vmem>>) semaphore(%arg11 : memref<!tpu.dma_semaphore, #tpu.memory_space<semaphore_mem>>)
    %scan3A_48 = arith.constant 0 : i32
    %scan3A_49 = arith.constant 0 : i32
    %scan3A_50 = arith.constant 8 : i32
    %scan3A_51 = arith.addi %scan3A_49, %scan3A_50 : i32
    %scan3A_52 = arith.constant 1 : i32
    %scan3A_53 = scf.for %scan3A_90 = %scan3A_49 to %scan3A_51 step %scan3A_52 iter_args(%scan3A_91 = %scan3A_48) -> (i32)  : i32 {
      %mul3A_92 = arith.constant 16 : i32
      %mul3A_93 = arith.muli %scan3A_90, %mul3A_92 : i32
      %add3A_94 = vector.broadcast %mul3A_93 : i32 to vector<16xi32>
      %add3A_95 = arith.addi %iota3A, %add3A_94 : vector<16xi32>
      %add3A_96 = arith.constant 128 : i32
      %add3A_97 = vector.broadcast %add3A_96 : i32 to vector<16xi32>
      %add3A_98 = arith.addi %add3A_95, %add3A_97 : vector<16xi32>
      %mul3A_99 = arith.constant 128 : i32
      %mul3A_100 = vector.broadcast %mul3A_99 : i32 to vector<16xi32>
      %mul3A_101 = arith.muli %add3A_98, %mul3A_100 : vector<16xi32>
      %broadcast_in_dim3A = arith.constant 0.000000e+00 : f32
      %broadcast_in_dim3A_102 = vector.broadcast %broadcast_in_dim3A : f32 to vector<16xf32>
      %scan3A_103 = arith.constant 0 : i32
      %scan3A_104 = arith.constant 8 : i32
      %scan3A_105 = arith.addi %scan3A_103, %scan3A_104 : i32
      %scan3A_106 = arith.constant 1 : i32
      %scan3A_107:8 = scf.for %scan3A_152 = %scan3A_103 to %scan3A_105 step %scan3A_106 iter_args(%scan3A_153 = %broadcast_in_dim3A_102, %scan3A_154 = %broadcast_in_dim3A_102, %scan3A_155 = %broadcast_in_dim3A_102, %scan3A_156 = %broadcast_in_dim3A_102, %scan3A_157 = %broadcast_in_dim3A_102, %scan3A_158 = %broadcast_in_dim3A_102, %scan3A_159 = %broadcast_in_dim3A_102, %scan3A_160 = %broadcast_in_dim3A_102) -> (vector<16xf32>, vector<16xf32>, vector<16xf32>, vector<16xf32>, vector<16xf32>, vector<16xf32>, vector<16xf32>, vector<16xf32>)  : i32 {
        %mul3A_161 = arith.constant 16 : i32
        %mul3A_162 = arith.muli %scan3A_152, %mul3A_161 : i32
        %add3A_163 = arith.constant 0 : i32
        %add3A_164 = arith.addi %mul3A_162, %add3A_163 : i32
        %add3A_165 = vector.broadcast %add3A_164 : i32 to vector<16xi32>
        %add3A_166 = arith.addi %iota3A, %add3A_165 : vector<16xi32>
        %and3A = arith.constant 127 : i32
        %and3A_167 = vector.broadcast %and3A : i32 to vector<16xi32>
        %and3A_168 = arith.andi %add3A_166, %and3A_167 : vector<16xi32>
        %add3A_169 = arith.addi %mul3A_101, %and3A_168 : vector<16xi32>
        %gather3A = tpu.vector_load_idx %arg7[%add3A_169] : memref<65536xf32, #tpu.memory_space<vmem>>[vector<16xi32>], vector<16xf32>,
        %gather3A_170 = tpu.vector_load_idx %arg9[%add3A_95, %and3A_168] : memref<128x128xf32, #tpu.memory_space<vmem>>[vector<16xi32>, vector<16xi32>], vector<16xf32>,
        %sub3A_171 = arith.subf %gather3A, %gather3A_170 : vector<16xf32>
        %mul3A_172 = arith.mulf %sub3A_171, %sub3A_171 : vector<16xf32>
        %add3A_173 = arith.addf %scan3A_153, %mul3A_172 : vector<16xf32>
        %mul3A_174 = arith.constant 16 : i32
        %mul3A_175 = arith.muli %scan3A_152, %mul3A_174 : i32
        %add3A_176 = arith.constant 1 : i32
        %add3A_177 = arith.addi %mul3A_175, %add3A_176 : i32
        %add3A_178 = vector.broadcast %add3A_177 : i32 to vector<16xi32>
        %add3A_179 = arith.addi %iota3A, %add3A_178 : vector<16xi32>
        %and3A_180 = arith.constant 127 : i32
        %and3A_181 = vector.broadcast %and3A_180 : i32 to vector<16xi32>
        %and3A_182 = arith.andi %add3A_179, %and3A_181 : vector<16xi32>
        %add3A_183 = arith.addi %mul3A_101, %and3A_182 : vector<16xi32>
        %gather3A_184 = tpu.vector_load_idx %arg7[%add3A_183] : memref<65536xf32, #tpu.memory_space<vmem>>[vector<16xi32>], vector<16xf32>,
        %gather3A_185 = tpu.vector_load_idx %arg9[%add3A_95, %and3A_182] : memref<128x128xf32, #tpu.memory_space<vmem>>[vector<16xi32>, vector<16xi32>], vector<16xf32>,
        %sub3A_186 = arith.subf %gather3A_184, %gather3A_185 : vector<16xf32>
        %mul3A_187 = arith.mulf %sub3A_186, %sub3A_186 : vector<16xf32>
        %add3A_188 = arith.addf %scan3A_154, %mul3A_187 : vector<16xf32>
        %mul3A_189 = arith.constant 16 : i32
        %mul3A_190 = arith.muli %scan3A_152, %mul3A_189 : i32
        %add3A_191 = arith.constant 2 : i32
        %add3A_192 = arith.addi %mul3A_190, %add3A_191 : i32
        %add3A_193 = vector.broadcast %add3A_192 : i32 to vector<16xi32>
        %add3A_194 = arith.addi %iota3A, %add3A_193 : vector<16xi32>
        %and3A_195 = arith.constant 127 : i32
        %and3A_196 = vector.broadcast %and3A_195 : i32 to vector<16xi32>
        %and3A_197 = arith.andi %add3A_194, %and3A_196 : vector<16xi32>
        %add3A_198 = arith.addi %mul3A_101, %and3A_197 : vector<16xi32>
        %gather3A_199 = tpu.vector_load_idx %arg7[%add3A_198] : memref<65536xf32, #tpu.memory_space<vmem>>[vector<16xi32>], vector<16xf32>,
        %gather3A_200 = tpu.vector_load_idx %arg9[%add3A_95, %and3A_197] : memref<128x128xf32, #tpu.memory_space<vmem>>[vector<16xi32>, vector<16xi32>], vector<16xf32>,
        %sub3A_201 = arith.subf %gather3A_199, %gather3A_200 : vector<16xf32>
        %mul3A_202 = arith.mulf %sub3A_201, %sub3A_201 : vector<16xf32>
        %add3A_203 = arith.addf %scan3A_155, %mul3A_202 : vector<16xf32>
        %mul3A_204 = arith.constant 16 : i32
        %mul3A_205 = arith.muli %scan3A_152, %mul3A_204 : i32
        %add3A_206 = arith.constant 3 : i32
        %add3A_207 = arith.addi %mul3A_205, %add3A_206 : i32
        %add3A_208 = vector.broadcast %add3A_207 : i32 to vector<16xi32>
        %add3A_209 = arith.addi %iota3A, %add3A_208 : vector<16xi32>
        %and3A_210 = arith.constant 127 : i32
        %and3A_211 = vector.broadcast %and3A_210 : i32 to vector<16xi32>
        %and3A_212 = arith.andi %add3A_209, %and3A_211 : vector<16xi32>
        %add3A_213 = arith.addi %mul3A_101, %and3A_212 : vector<16xi32>
        %gather3A_214 = tpu.vector_load_idx %arg7[%add3A_213] : memref<65536xf32, #tpu.memory_space<vmem>>[vector<16xi32>], vector<16xf32>,
        %gather3A_215 = tpu.vector_load_idx %arg9[%add3A_95, %and3A_212] : memref<128x128xf32, #tpu.memory_space<vmem>>[vector<16xi32>, vector<16xi32>], vector<16xf32>,
        %sub3A_216 = arith.subf %gather3A_214, %gather3A_215 : vector<16xf32>
        %mul3A_217 = arith.mulf %sub3A_216, %sub3A_216 : vector<16xf32>
        %add3A_218 = arith.addf %scan3A_156, %mul3A_217 : vector<16xf32>
        %mul3A_219 = arith.constant 16 : i32
        %mul3A_220 = arith.muli %scan3A_152, %mul3A_219 : i32
        %add3A_221 = arith.constant 4 : i32
        %add3A_222 = arith.addi %mul3A_220, %add3A_221 : i32
        %add3A_223 = vector.broadcast %add3A_222 : i32 to vector<16xi32>
        %add3A_224 = arith.addi %iota3A, %add3A_223 : vector<16xi32>
        %and3A_225 = arith.constant 127 : i32
        %and3A_226 = vector.broadcast %and3A_225 : i32 to vector<16xi32>
        %and3A_227 = arith.andi %add3A_224, %and3A_226 : vector<16xi32>
        %add3A_228 = arith.addi %mul3A_101, %and3A_227 : vector<16xi32>
        %gather3A_229 = tpu.vector_load_idx %arg7[%add3A_228] : memref<65536xf32, #tpu.memory_space<vmem>>[vector<16xi32>], vector<16xf32>,
        %gather3A_230 = tpu.vector_load_idx %arg9[%add3A_95, %and3A_227] : memref<128x128xf32, #tpu.memory_space<vmem>>[vector<16xi32>, vector<16xi32>], vector<16xf32>,
        %sub3A_231 = arith.subf %gather3A_229, %gather3A_230 : vector<16xf32>
        %mul3A_232 = arith.mulf %sub3A_231, %sub3A_231 : vector<16xf32>
        %add3A_233 = arith.addf %scan3A_157, %mul3A_232 : vector<16xf32>
        %mul3A_234 = arith.constant 16 : i32
        %mul3A_235 = arith.muli %scan3A_152, %mul3A_234 : i32
        %add3A_236 = arith.constant 5 : i32
        %add3A_237 = arith.addi %mul3A_235, %add3A_236 : i32
        %add3A_238 = vector.broadcast %add3A_237 : i32 to vector<16xi32>
        %add3A_239 = arith.addi %iota3A, %add3A_238 : vector<16xi32>
        %and3A_240 = arith.constant 127 : i32
        %and3A_241 = vector.broadcast %and3A_240 : i32 to vector<16xi32>
        %and3A_242 = arith.andi %add3A_239, %and3A_241 : vector<16xi32>
        %add3A_243 = arith.addi %mul3A_101, %and3A_242 : vector<16xi32>
        %gather3A_244 = tpu.vector_load_idx %arg7[%add3A_243] : memref<65536xf32, #tpu.memory_space<vmem>>[vector<16xi32>], vector<16xf32>,
        %gather3A_245 = tpu.vector_load_idx %arg9[%add3A_95, %and3A_242] : memref<128x128xf32, #tpu.memory_space<vmem>>[vector<16xi32>, vector<16xi32>], vector<16xf32>,
        %sub3A_246 = arith.subf %gather3A_244, %gather3A_245 : vector<16xf32>
        %mul3A_247 = arith.mulf %sub3A_246, %sub3A_246 : vector<16xf32>
        %add3A_248 = arith.addf %scan3A_158, %mul3A_247 : vector<16xf32>
        %mul3A_249 = arith.constant 16 : i32
        %mul3A_250 = arith.muli %scan3A_152, %mul3A_249 : i32
        %add3A_251 = arith.constant 6 : i32
        %add3A_252 = arith.addi %mul3A_250, %add3A_251 : i32
        %add3A_253 = vector.broadcast %add3A_252 : i32 to vector<16xi32>
        %add3A_254 = arith.addi %iota3A, %add3A_253 : vector<16xi32>
        %and3A_255 = arith.constant 127 : i32
        %and3A_256 = vector.broadcast %and3A_255 : i32 to vector<16xi32>
        %and3A_257 = arith.andi %add3A_254, %and3A_256 : vector<16xi32>
        %add3A_258 = arith.addi %mul3A_101, %and3A_257 : vector<16xi32>
        %gather3A_259 = tpu.vector_load_idx %arg7[%add3A_258] : memref<65536xf32, #tpu.memory_space<vmem>>[vector<16xi32>], vector<16xf32>,
        %gather3A_260 = tpu.vector_load_idx %arg9[%add3A_95, %and3A_257] : memref<128x128xf32, #tpu.memory_space<vmem>>[vector<16xi32>, vector<16xi32>], vector<16xf32>,
        %sub3A_261 = arith.subf %gather3A_259, %gather3A_260 : vector<16xf32>
        %mul3A_262 = arith.mulf %sub3A_261, %sub3A_261 : vector<16xf32>
        %add3A_263 = arith.addf %scan3A_159, %mul3A_262 : vector<16xf32>
        %mul3A_264 = arith.constant 16 : i32
        %mul3A_265 = arith.muli %scan3A_152, %mul3A_264 : i32
        %add3A_266 = arith.constant 7 : i32
        %add3A_267 = arith.addi %mul3A_265, %add3A_266 : i32
        %add3A_268 = vector.broadcast %add3A_267 : i32 to vector<16xi32>
        %add3A_269 = arith.addi %iota3A, %add3A_268 : vector<16xi32>
        %and3A_270 = arith.constant 127 : i32
        %and3A_271 = vector.broadcast %and3A_270 : i32 to vector<16xi32>
        %and3A_272 = arith.andi %add3A_269, %and3A_271 : vector<16xi32>
        %add3A_273 = arith.addi %mul3A_101, %and3A_272 : vector<16xi32>
        %gather3A_274 = tpu.vector_load_idx %arg7[%add3A_273] : memref<65536xf32, #tpu.memory_space<vmem>>[vector<16xi32>], vector<16xf32>,
        %gather3A_275 = tpu.vector_load_idx %arg9[%add3A_95, %and3A_272] : memref<128x128xf32, #tpu.memory_space<vmem>>[vector<16xi32>, vector<16xi32>], vector<16xf32>,
        %sub3A_276 = arith.subf %gather3A_274, %gather3A_275 : vector<16xf32>
        %mul3A_277 = arith.mulf %sub3A_276, %sub3A_276 : vector<16xf32>
        %add3A_278 = arith.addf %scan3A_160, %mul3A_277 : vector<16xf32>
        %mul3A_279 = arith.constant 16 : i32
        %mul3A_280 = arith.muli %scan3A_152, %mul3A_279 : i32
        %add3A_281 = arith.constant 8 : i32
        %add3A_282 = arith.addi %mul3A_280, %add3A_281 : i32
        %add3A_283 = vector.broadcast %add3A_282 : i32 to vector<16xi32>
        %add3A_284 = arith.addi %iota3A, %add3A_283 : vector<16xi32>
        %and3A_285 = arith.constant 127 : i32
        %and3A_286 = vector.broadcast %and3A_285 : i32 to vector<16xi32>
        %and3A_287 = arith.andi %add3A_284, %and3A_286 : vector<16xi32>
        %add3A_288 = arith.addi %mul3A_101, %and3A_287 : vector<16xi32>
        %gather3A_289 = tpu.vector_load_idx %arg7[%add3A_288] : memref<65536xf32, #tpu.memory_space<vmem>>[vector<16xi32>], vector<16xf32>,
        %gather3A_290 = tpu.vector_load_idx %arg9[%add3A_95, %and3A_287] : memref<128x128xf32, #tpu.memory_space<vmem>>[vector<16xi32>, vector<16xi32>], vector<16xf32>,
        %sub3A_291 = arith.subf %gather3A_289, %gather3A_290 : vector<16xf32>
        %mul3A_292 = arith.mulf %sub3A_291, %sub3A_291 : vector<16xf32>
        %add3A_293 = arith.addf %add3A_173, %mul3A_292 : vector<16xf32>
        %mul3A_294 = arith.constant 16 : i32
        %mul3A_295 = arith.muli %scan3A_152, %mul3A_294 : i32
        %add3A_296 = arith.constant 9 : i32
        %add3A_297 = arith.addi %mul3A_295, %add3A_296 : i32
        %add3A_298 = vector.broadcast %add3A_297 : i32 to vector<16xi32>
        %add3A_299 = arith.addi %iota3A, %add3A_298 : vector<16xi32>
        %and3A_300 = arith.constant 127 : i32
        %and3A_301 = vector.broadcast %and3A_300 : i32 to vector<16xi32>
        %and3A_302 = arith.andi %add3A_299, %and3A_301 : vector<16xi32>
        %add3A_303 = arith.addi %mul3A_101, %and3A_302 : vector<16xi32>
        %gather3A_304 = tpu.vector_load_idx %arg7[%add3A_303] : memref<65536xf32, #tpu.memory_space<vmem>>[vector<16xi32>], vector<16xf32>,
        %gather3A_305 = tpu.vector_load_idx %arg9[%add3A_95, %and3A_302] : memref<128x128xf32, #tpu.memory_space<vmem>>[vector<16xi32>, vector<16xi32>], vector<16xf32>,
        %sub3A_306 = arith.subf %gather3A_304, %gather3A_305 : vector<16xf32>
        %mul3A_307 = arith.mulf %sub3A_306, %sub3A_306 : vector<16xf32>
        %add3A_308 = arith.addf %add3A_188, %mul3A_307 : vector<16xf32>
        %mul3A_309 = arith.constant 16 : i32
        %mul3A_310 = arith.muli %scan3A_152, %mul3A_309 : i32
        %add3A_311 = arith.constant 10 : i32
        %add3A_312 = arith.addi %mul3A_310, %add3A_311 : i32
        %add3A_313 = vector.broadcast %add3A_312 : i32 to vector<16xi32>
        %add3A_314 = arith.addi %iota3A, %add3A_313 : vector<16xi32>
        %and3A_315 = arith.constant 127 : i32
        %and3A_316 = vector.broadcast %and3A_315 : i32 to vector<16xi32>
        %and3A_317 = arith.andi %add3A_314, %and3A_316 : vector<16xi32>
        %add3A_318 = arith.addi %mul3A_101, %and3A_317 : vector<16xi32>
        %gather3A_319 = tpu.vector_load_idx %arg7[%add3A_318] : memref<65536xf32, #tpu.memory_space<vmem>>[vector<16xi32>], vector<16xf32>,
        %gather3A_320 = tpu.vector_load_idx %arg9[%add3A_95, %and3A_317] : memref<128x128xf32, #tpu.memory_space<vmem>>[vector<16xi32>, vector<16xi32>], vector<16xf32>,
        %sub3A_321 = arith.subf %gather3A_319, %gather3A_320 : vector<16xf32>
        %mul3A_322 = arith.mulf %sub3A_321, %sub3A_321 : vector<16xf32>
        %add3A_323 = arith.addf %add3A_203, %mul3A_322 : vector<16xf32>
        %mul3A_324 = arith.constant 16 : i32
        %mul3A_325 = arith.muli %scan3A_152, %mul3A_324 : i32
        %add3A_326 = arith.constant 11 : i32
        %add3A_327 = arith.addi %mul3A_325, %add3A_326 : i32
        %add3A_328 = vector.broadcast %add3A_327 : i32 to vector<16xi32>
        %add3A_329 = arith.addi %iota3A, %add3A_328 : vector<16xi32>
        %and3A_330 = arith.constant 127 : i32
        %and3A_331 = vector.broadcast %and3A_330 : i32 to vector<16xi32>
        %and3A_332 = arith.andi %add3A_329, %and3A_331 : vector<16xi32>
        %add3A_333 = arith.addi %mul3A_101, %and3A_332 : vector<16xi32>
        %gather3A_334 = tpu.vector_load_idx %arg7[%add3A_333] : memref<65536xf32, #tpu.memory_space<vmem>>[vector<16xi32>], vector<16xf32>,
        %gather3A_335 = tpu.vector_load_idx %arg9[%add3A_95, %and3A_332] : memref<128x128xf32, #tpu.memory_space<vmem>>[vector<16xi32>, vector<16xi32>], vector<16xf32>,
        %sub3A_336 = arith.subf %gather3A_334, %gather3A_335 : vector<16xf32>
        %mul3A_337 = arith.mulf %sub3A_336, %sub3A_336 : vector<16xf32>
        %add3A_338 = arith.addf %add3A_218, %mul3A_337 : vector<16xf32>
        %mul3A_339 = arith.constant 16 : i32
        %mul3A_340 = arith.muli %scan3A_152, %mul3A_339 : i32
        %add3A_341 = arith.constant 12 : i32
        %add3A_342 = arith.addi %mul3A_340, %add3A_341 : i32
        %add3A_343 = vector.broadcast %add3A_342 : i32 to vector<16xi32>
        %add3A_344 = arith.addi %iota3A, %add3A_343 : vector<16xi32>
        %and3A_345 = arith.constant 127 : i32
        %and3A_346 = vector.broadcast %and3A_345 : i32 to vector<16xi32>
        %and3A_347 = arith.andi %add3A_344, %and3A_346 : vector<16xi32>
        %add3A_348 = arith.addi %mul3A_101, %and3A_347 : vector<16xi32>
        %gather3A_349 = tpu.vector_load_idx %arg7[%add3A_348] : memref<65536xf32, #tpu.memory_space<vmem>>[vector<16xi32>], vector<16xf32>,
        %gather3A_350 = tpu.vector_load_idx %arg9[%add3A_95, %and3A_347] : memref<128x128xf32, #tpu.memory_space<vmem>>[vector<16xi32>, vector<16xi32>], vector<16xf32>,
        %sub3A_351 = arith.subf %gather3A_349, %gather3A_350 : vector<16xf32>
        %mul3A_352 = arith.mulf %sub3A_351, %sub3A_351 : vector<16xf32>
        %add3A_353 = arith.addf %add3A_233, %mul3A_352 : vector<16xf32>
        %mul3A_354 = arith.constant 16 : i32
        %mul3A_355 = arith.muli %scan3A_152, %mul3A_354 : i32
        %add3A_356 = arith.constant 13 : i32
        %add3A_357 = arith.addi %mul3A_355, %add3A_356 : i32
        %add3A_358 = vector.broadcast %add3A_357 : i32 to vector<16xi32>
        %add3A_359 = arith.addi %iota3A, %add3A_358 : vector<16xi32>
        %and3A_360 = arith.constant 127 : i32
        %and3A_361 = vector.broadcast %and3A_360 : i32 to vector<16xi32>
        %and3A_362 = arith.andi %add3A_359, %and3A_361 : vector<16xi32>
        %add3A_363 = arith.addi %mul3A_101, %and3A_362 : vector<16xi32>
        %gather3A_364 = tpu.vector_load_idx %arg7[%add3A_363] : memref<65536xf32, #tpu.memory_space<vmem>>[vector<16xi32>], vector<16xf32>,
        %gather3A_365 = tpu.vector_load_idx %arg9[%add3A_95, %and3A_362] : memref<128x128xf32, #tpu.memory_space<vmem>>[vector<16xi32>, vector<16xi32>], vector<16xf32>,
        %sub3A_366 = arith.subf %gather3A_364, %gather3A_365 : vector<16xf32>
        %mul3A_367 = arith.mulf %sub3A_366, %sub3A_366 : vector<16xf32>
        %add3A_368 = arith.addf %add3A_248, %mul3A_367 : vector<16xf32>
        %mul3A_369 = arith.constant 16 : i32
        %mul3A_370 = arith.muli %scan3A_152, %mul3A_369 : i32
        %add3A_371 = arith.constant 14 : i32
        %add3A_372 = arith.addi %mul3A_370, %add3A_371 : i32
        %add3A_373 = vector.broadcast %add3A_372 : i32 to vector<16xi32>
        %add3A_374 = arith.addi %iota3A, %add3A_373 : vector<16xi32>
        %and3A_375 = arith.constant 127 : i32
        %and3A_376 = vector.broadcast %and3A_375 : i32 to vector<16xi32>
        %and3A_377 = arith.andi %add3A_374, %and3A_376 : vector<16xi32>
        %add3A_378 = arith.addi %mul3A_101, %and3A_377 : vector<16xi32>
        %gather3A_379 = tpu.vector_load_idx %arg7[%add3A_378] : memref<65536xf32, #tpu.memory_space<vmem>>[vector<16xi32>], vector<16xf32>,
        %gather3A_380 = tpu.vector_load_idx %arg9[%add3A_95, %and3A_377] : memref<128x128xf32, #tpu.memory_space<vmem>>[vector<16xi32>, vector<16xi32>], vector<16xf32>,
        %sub3A_381 = arith.subf %gather3A_379, %gather3A_380 : vector<16xf32>
        %mul3A_382 = arith.mulf %sub3A_381, %sub3A_381 : vector<16xf32>
        %add3A_383 = arith.addf %add3A_263, %mul3A_382 : vector<16xf32>
        %mul3A_384 = arith.constant 16 : i32
        %mul3A_385 = arith.muli %scan3A_152, %mul3A_384 : i32
        %add3A_386 = arith.constant 15 : i32
        %add3A_387 = arith.addi %mul3A_385, %add3A_386 : i32
        %add3A_388 = vector.broadcast %add3A_387 : i32 to vector<16xi32>
        %add3A_389 = arith.addi %iota3A, %add3A_388 : vector<16xi32>
        %and3A_390 = arith.constant 127 : i32
        %and3A_391 = vector.broadcast %and3A_390 : i32 to vector<16xi32>
        %and3A_392 = arith.andi %add3A_389, %and3A_391 : vector<16xi32>
        %add3A_393 = arith.addi %mul3A_101, %and3A_392 : vector<16xi32>
        %gather3A_394 = tpu.vector_load_idx %arg7[%add3A_393] : memref<65536xf32, #tpu.memory_space<vmem>>[vector<16xi32>], vector<16xf32>,
        %gather3A_395 = tpu.vector_load_idx %arg9[%add3A_95, %and3A_392] : memref<128x128xf32, #tpu.memory_space<vmem>>[vector<16xi32>, vector<16xi32>], vector<16xf32>,
        %sub3A_396 = arith.subf %gather3A_394, %gather3A_395 : vector<16xf32>
        %mul3A_397 = arith.mulf %sub3A_396, %sub3A_396 : vector<16xf32>
        %add3A_398 = arith.addf %add3A_278, %mul3A_397 : vector<16xf32>
        scf.yield %add3A_293, %add3A_308, %add3A_323, %add3A_338, %add3A_353, %add3A_368, %add3A_383, %add3A_398 : vector<16xf32>, vector<16xf32>, vector<16xf32>, vector<16xf32>, vector<16xf32>, vector<16xf32>, vector<16xf32>, vector<16xf32>
      }
      %scan3A_108 = arith.constant 8 : i32
      %add3A_109 = arith.addf %scan3A_107#0, %scan3A_107#1 : vector<16xf32>
      %add3A_110 = arith.addf %scan3A_107#2, %scan3A_107#3 : vector<16xf32>
      %add3A_111 = arith.addf %scan3A_107#4, %scan3A_107#5 : vector<16xf32>
      %add3A_112 = arith.addf %scan3A_107#6, %scan3A_107#7 : vector<16xf32>
      %add3A_113 = arith.addf %add3A_109, %add3A_110 : vector<16xf32>
      %add3A_114 = arith.addf %add3A_111, %add3A_112 : vector<16xf32>
      %add3A_115 = arith.addf %add3A_113, %add3A_114 : vector<16xf32>
      %bitcast3A = vector.bitcast %add3A_115 : vector<16xf32> to vector<16xi32>
      %shift_right_logical3A = arith.constant 1 : i32
      %shift_right_logical3A_116 = vector.broadcast %shift_right_logical3A : i32 to vector<16xi32>
      %shift_right_logical3A_117 = arith.shrui %bitcast3A, %shift_right_logical3A_116 : vector<16xi32>
      %sub3A = arith.constant 1597463007 : i32
      %sub3A_118 = vector.broadcast %sub3A : i32 to vector<16xi32>
      %sub3A_119 = arith.subi %sub3A_118, %shift_right_logical3A_117 : vector<16xi32>
      %bitcast3A_120 = vector.bitcast %sub3A_119 : vector<16xi32> to vector<16xf32>
      %mul3A_121 = arith.constant 5.000000e-01 : f32
      %mul3A_122 = vector.broadcast %mul3A_121 : f32 to vector<16xf32>
      %mul3A_123 = arith.mulf %add3A_115, %mul3A_122 : vector<16xf32>
      %mul3A_124 = arith.mulf %mul3A_123, %bitcast3A_120 : vector<16xf32>
      %mul3A_125 = arith.mulf %mul3A_124, %bitcast3A_120 : vector<16xf32>
      %sub3A_126 = arith.constant 1.500000e+00 : f32
      %sub3A_127 = vector.broadcast %sub3A_126 : f32 to vector<16xf32>
      %sub3A_128 = arith.subf %sub3A_127, %mul3A_125 : vector<16xf32>
      %mul3A_129 = arith.mulf %bitcast3A_120, %sub3A_128 : vector<16xf32>
      %mul3A_130 = arith.mulf %mul3A_123, %mul3A_129 : vector<16xf32>
      %mul3A_131 = arith.mulf %mul3A_130, %mul3A_129 : vector<16xf32>
      %sub3A_132 = arith.constant 1.500000e+00 : f32
      %sub3A_133 = vector.broadcast %sub3A_132 : f32 to vector<16xf32>
      %sub3A_134 = arith.subf %sub3A_133, %mul3A_131 : vector<16xf32>
      %mul3A_135 = arith.mulf %mul3A_129, %sub3A_134 : vector<16xf32>
      %mul3A_136 = arith.mulf %mul3A_123, %mul3A_135 : vector<16xf32>
      %mul3A_137 = arith.mulf %mul3A_136, %mul3A_135 : vector<16xf32>
      %sub3A_138 = arith.constant 1.500000e+00 : f32
      %sub3A_139 = vector.broadcast %sub3A_138 : f32 to vector<16xf32>
      %sub3A_140 = arith.subf %sub3A_139, %mul3A_137 : vector<16xf32>
      %mul3A_141 = arith.mulf %mul3A_135, %sub3A_140 : vector<16xf32>
      %mul3A_142 = arith.mulf %add3A_115, %mul3A_141 : vector<16xf32>
      %mul3A_143 = arith.constant 7.812500e-03 : f32
      %mul3A_144 = vector.broadcast %mul3A_143 : f32 to vector<16xf32>
      %mul3A_145 = arith.mulf %mul3A_142, %mul3A_144 : vector<16xf32>
      %mul3A_146 = arith.constant 16 : i32
      %mul3A_147 = arith.muli %scan3A_90, %mul3A_146 : i32
      %add3A_148 = arith.constant 128 : i32
      %add3A_149 = arith.addi %add3A_148, %mul3A_147 : i32
      %swap3A = arith.index_cast %add3A_149 : i32 to index
      %swap3A_150 = tpu.vector_load %arg10[%swap3A] {strides = array<i32>} : memref<512xf32, #tpu.memory_space<vmem>>, vector<16xf32>,
      tpu.vector_store %arg10[%swap3A], %mul3A_145 {strides = array<i32>} : memref<512xf32, #tpu.memory_space<vmem>>, vector<16xf32>,
      %scan3A_151 = arith.constant 0 : i32
      scf.yield %scan3A_151 : i32
    }
    %scan3A_54 = arith.constant 8 : i32
    %dma_wait3A_55 = arith.constant 2 : i32
    %dma_wait3A_56 = arith.constant 0 : i32
    %dma_wait3A_57 = tpu.memref_slice %arg6[%dma_wait3A_55, %dma_wait3A_56] : memref<4x128xi32, #tpu.memory_space<vmem>> -> memref<1x128xi32, #tpu.memory_space<vmem>>
    %dma_wait3A_58 = tpu.memref_squeeze %dma_wait3A_57 : memref<1x128xi32, #tpu.memory_space<vmem>> -> memref<128xi32, #tpu.memory_space<vmem>>
    %dma_wait3A_59 = arith.constant 0 : i32
    %dma_wait3A_60 = arith.constant 0 : i32
    %dma_wait3A_61 = tpu.memref_slice %arg4[%dma_wait3A_59, %dma_wait3A_60] : memref<100000x128xf32, #tpu.memory_space<hbm>> -> memref<100000x128xf32, #tpu.memory_space<hbm>>
    tpu.wait_indirect_dma semaphore(%arg11 : memref<!tpu.dma_semaphore, #tpu.memory_space<semaphore_mem>>) src(%dma_wait3A_61 : memref<100000x128xf32, #tpu.memory_space<hbm>>) dst(%arg8 : memref<128x128xf32, #tpu.memory_space<vmem>>)
    %dma_start3A_62 = arith.constant 3 : i32
    %dma_start3A_63 = arith.constant 0 : i32
    %dma_start3A_64 = tpu.memref_slice %arg6[%dma_start3A_62, %dma_start3A_63] : memref<4x128xi32, #tpu.memory_space<vmem>> -> memref<1x128xi32, #tpu.memory_space<vmem>>
    %dma_start3A_65 = tpu.memref_squeeze %dma_start3A_64 : memref<1x128xi32, #tpu.memory_space<vmem>> -> memref<128xi32, #tpu.memory_space<vmem>>
    %dma_start3A_66 = arith.constant 0 : i32
    %dma_start3A_67 = arith.constant 0 : i32
    %dma_start3A_68 = tpu.memref_slice %arg4[%dma_start3A_66, %dma_start3A_67] : memref<100000x128xf32, #tpu.memory_space<hbm>> -> memref<100000x128xf32, #tpu.memory_space<hbm>>
    tpu.enqueue_indirect_dma source(%dma_start3A_68 : memref<100000x128xf32, #tpu.memory_space<hbm>>) target(%arg9 : memref<128x128xf32, #tpu.memory_space<vmem>>) offsets(%dma_start3A_65 : memref<128xi32, #tpu.memory_space<vmem>>) semaphore(%arg12 : memref<!tpu.dma_semaphore, #tpu.memory_space<semaphore_mem>>)
    %scan3A_69 = arith.constant 0 : i32
    %scan3A_70 = arith.constant 0 : i32
    %scan3A_71 = arith.constant 8 : i32
    %scan3A_72 = arith.addi %scan3A_70, %scan3A_71 : i32
    %scan3A_73 = arith.constant 1 : i32
    %scan3A_74 = scf.for %scan3A_90 = %scan3A_70 to %scan3A_72 step %scan3A_73 iter_args(%scan3A_91 = %scan3A_69) -> (i32)  : i32 {
      %mul3A_92 = arith.constant 16 : i32
      %mul3A_93 = arith.muli %scan3A_90, %mul3A_92 : i32
      %add3A_94 = vector.broadcast %mul3A_93 : i32 to vector<16xi32>
      %add3A_95 = arith.addi %iota3A, %add3A_94 : vector<16xi32>
      %add3A_96 = arith.constant 256 : i32
      %add3A_97 = vector.broadcast %add3A_96 : i32 to vector<16xi32>
      %add3A_98 = arith.addi %add3A_95, %add3A_97 : vector<16xi32>
      %mul3A_99 = arith.constant 128 : i32
      %mul3A_100 = vector.broadcast %mul3A_99 : i32 to vector<16xi32>
      %mul3A_101 = arith.muli %add3A_98, %mul3A_100 : vector<16xi32>
      %broadcast_in_dim3A = arith.constant 0.000000e+00 : f32
      %broadcast_in_dim3A_102 = vector.broadcast %broadcast_in_dim3A : f32 to vector<16xf32>
      %scan3A_103 = arith.constant 0 : i32
      %scan3A_104 = arith.constant 8 : i32
      %scan3A_105 = arith.addi %scan3A_103, %scan3A_104 : i32
      %scan3A_106 = arith.constant 1 : i32
      %scan3A_107:8 = scf.for %scan3A_152 = %scan3A_103 to %scan3A_105 step %scan3A_106 iter_args(%scan3A_153 = %broadcast_in_dim3A_102, %scan3A_154 = %broadcast_in_dim3A_102, %scan3A_155 = %broadcast_in_dim3A_102, %scan3A_156 = %broadcast_in_dim3A_102, %scan3A_157 = %broadcast_in_dim3A_102, %scan3A_158 = %broadcast_in_dim3A_102, %scan3A_159 = %broadcast_in_dim3A_102, %scan3A_160 = %broadcast_in_dim3A_102) -> (vector<16xf32>, vector<16xf32>, vector<16xf32>, vector<16xf32>, vector<16xf32>, vector<16xf32>, vector<16xf32>, vector<16xf32>)  : i32 {
        %mul3A_161 = arith.constant 16 : i32
        %mul3A_162 = arith.muli %scan3A_152, %mul3A_161 : i32
        %add3A_163 = arith.constant 0 : i32
        %add3A_164 = arith.addi %mul3A_162, %add3A_163 : i32
        %add3A_165 = vector.broadcast %add3A_164 : i32 to vector<16xi32>
        %add3A_166 = arith.addi %iota3A, %add3A_165 : vector<16xi32>
        %and3A = arith.constant 127 : i32
        %and3A_167 = vector.broadcast %and3A : i32 to vector<16xi32>
        %and3A_168 = arith.andi %add3A_166, %and3A_167 : vector<16xi32>
        %add3A_169 = arith.addi %mul3A_101, %and3A_168 : vector<16xi32>
        %gather3A = tpu.vector_load_idx %arg7[%add3A_169] : memref<65536xf32, #tpu.memory_space<vmem>>[vector<16xi32>], vector<16xf32>,
        %gather3A_170 = tpu.vector_load_idx %arg8[%add3A_95, %and3A_168] : memref<128x128xf32, #tpu.memory_space<vmem>>[vector<16xi32>, vector<16xi32>], vector<16xf32>,
        %sub3A_171 = arith.subf %gather3A, %gather3A_170 : vector<16xf32>
        %mul3A_172 = arith.mulf %sub3A_171, %sub3A_171 : vector<16xf32>
        %add3A_173 = arith.addf %scan3A_153, %mul3A_172 : vector<16xf32>
        %mul3A_174 = arith.constant 16 : i32
        %mul3A_175 = arith.muli %scan3A_152, %mul3A_174 : i32
        %add3A_176 = arith.constant 1 : i32
        %add3A_177 = arith.addi %mul3A_175, %add3A_176 : i32
        %add3A_178 = vector.broadcast %add3A_177 : i32 to vector<16xi32>
        %add3A_179 = arith.addi %iota3A, %add3A_178 : vector<16xi32>
        %and3A_180 = arith.constant 127 : i32
        %and3A_181 = vector.broadcast %and3A_180 : i32 to vector<16xi32>
        %and3A_182 = arith.andi %add3A_179, %and3A_181 : vector<16xi32>
        %add3A_183 = arith.addi %mul3A_101, %and3A_182 : vector<16xi32>
        %gather3A_184 = tpu.vector_load_idx %arg7[%add3A_183] : memref<65536xf32, #tpu.memory_space<vmem>>[vector<16xi32>], vector<16xf32>,
        %gather3A_185 = tpu.vector_load_idx %arg8[%add3A_95, %and3A_182] : memref<128x128xf32, #tpu.memory_space<vmem>>[vector<16xi32>, vector<16xi32>], vector<16xf32>,
        %sub3A_186 = arith.subf %gather3A_184, %gather3A_185 : vector<16xf32>
        %mul3A_187 = arith.mulf %sub3A_186, %sub3A_186 : vector<16xf32>
        %add3A_188 = arith.addf %scan3A_154, %mul3A_187 : vector<16xf32>
        %mul3A_189 = arith.constant 16 : i32
        %mul3A_190 = arith.muli %scan3A_152, %mul3A_189 : i32
        %add3A_191 = arith.constant 2 : i32
        %add3A_192 = arith.addi %mul3A_190, %add3A_191 : i32
        %add3A_193 = vector.broadcast %add3A_192 : i32 to vector<16xi32>
        %add3A_194 = arith.addi %iota3A, %add3A_193 : vector<16xi32>
        %and3A_195 = arith.constant 127 : i32
        %and3A_196 = vector.broadcast %and3A_195 : i32 to vector<16xi32>
        %and3A_197 = arith.andi %add3A_194, %and3A_196 : vector<16xi32>
        %add3A_198 = arith.addi %mul3A_101, %and3A_197 : vector<16xi32>
        %gather3A_199 = tpu.vector_load_idx %arg7[%add3A_198] : memref<65536xf32, #tpu.memory_space<vmem>>[vector<16xi32>], vector<16xf32>,
        %gather3A_200 = tpu.vector_load_idx %arg8[%add3A_95, %and3A_197] : memref<128x128xf32, #tpu.memory_space<vmem>>[vector<16xi32>, vector<16xi32>], vector<16xf32>,
        %sub3A_201 = arith.subf %gather3A_199, %gather3A_200 : vector<16xf32>
        %mul3A_202 = arith.mulf %sub3A_201, %sub3A_201 : vector<16xf32>
        %add3A_203 = arith.addf %scan3A_155, %mul3A_202 : vector<16xf32>
        %mul3A_204 = arith.constant 16 : i32
        %mul3A_205 = arith.muli %scan3A_152, %mul3A_204 : i32
        %add3A_206 = arith.constant 3 : i32
        %add3A_207 = arith.addi %mul3A_205, %add3A_206 : i32
        %add3A_208 = vector.broadcast %add3A_207 : i32 to vector<16xi32>
        %add3A_209 = arith.addi %iota3A, %add3A_208 : vector<16xi32>
        %and3A_210 = arith.constant 127 : i32
        %and3A_211 = vector.broadcast %and3A_210 : i32 to vector<16xi32>
        %and3A_212 = arith.andi %add3A_209, %and3A_211 : vector<16xi32>
        %add3A_213 = arith.addi %mul3A_101, %and3A_212 : vector<16xi32>
        %gather3A_214 = tpu.vector_load_idx %arg7[%add3A_213] : memref<65536xf32, #tpu.memory_space<vmem>>[vector<16xi32>], vector<16xf32>,
        %gather3A_215 = tpu.vector_load_idx %arg8[%add3A_95, %and3A_212] : memref<128x128xf32, #tpu.memory_space<vmem>>[vector<16xi32>, vector<16xi32>], vector<16xf32>,
        %sub3A_216 = arith.subf %gather3A_214, %gather3A_215 : vector<16xf32>
        %mul3A_217 = arith.mulf %sub3A_216, %sub3A_216 : vector<16xf32>
        %add3A_218 = arith.addf %scan3A_156, %mul3A_217 : vector<16xf32>
        %mul3A_219 = arith.constant 16 : i32
        %mul3A_220 = arith.muli %scan3A_152, %mul3A_219 : i32
        %add3A_221 = arith.constant 4 : i32
        %add3A_222 = arith.addi %mul3A_220, %add3A_221 : i32
        %add3A_223 = vector.broadcast %add3A_222 : i32 to vector<16xi32>
        %add3A_224 = arith.addi %iota3A, %add3A_223 : vector<16xi32>
        %and3A_225 = arith.constant 127 : i32
        %and3A_226 = vector.broadcast %and3A_225 : i32 to vector<16xi32>
        %and3A_227 = arith.andi %add3A_224, %and3A_226 : vector<16xi32>
        %add3A_228 = arith.addi %mul3A_101, %and3A_227 : vector<16xi32>
        %gather3A_229 = tpu.vector_load_idx %arg7[%add3A_228] : memref<65536xf32, #tpu.memory_space<vmem>>[vector<16xi32>], vector<16xf32>,
        %gather3A_230 = tpu.vector_load_idx %arg8[%add3A_95, %and3A_227] : memref<128x128xf32, #tpu.memory_space<vmem>>[vector<16xi32>, vector<16xi32>], vector<16xf32>,
        %sub3A_231 = arith.subf %gather3A_229, %gather3A_230 : vector<16xf32>
        %mul3A_232 = arith.mulf %sub3A_231, %sub3A_231 : vector<16xf32>
        %add3A_233 = arith.addf %scan3A_157, %mul3A_232 : vector<16xf32>
        %mul3A_234 = arith.constant 16 : i32
        %mul3A_235 = arith.muli %scan3A_152, %mul3A_234 : i32
        %add3A_236 = arith.constant 5 : i32
        %add3A_237 = arith.addi %mul3A_235, %add3A_236 : i32
        %add3A_238 = vector.broadcast %add3A_237 : i32 to vector<16xi32>
        %add3A_239 = arith.addi %iota3A, %add3A_238 : vector<16xi32>
        %and3A_240 = arith.constant 127 : i32
        %and3A_241 = vector.broadcast %and3A_240 : i32 to vector<16xi32>
        %and3A_242 = arith.andi %add3A_239, %and3A_241 : vector<16xi32>
        %add3A_243 = arith.addi %mul3A_101, %and3A_242 : vector<16xi32>
        %gather3A_244 = tpu.vector_load_idx %arg7[%add3A_243] : memref<65536xf32, #tpu.memory_space<vmem>>[vector<16xi32>], vector<16xf32>,
        %gather3A_245 = tpu.vector_load_idx %arg8[%add3A_95, %and3A_242] : memref<128x128xf32, #tpu.memory_space<vmem>>[vector<16xi32>, vector<16xi32>], vector<16xf32>,
        %sub3A_246 = arith.subf %gather3A_244, %gather3A_245 : vector<16xf32>
        %mul3A_247 = arith.mulf %sub3A_246, %sub3A_246 : vector<16xf32>
        %add3A_248 = arith.addf %scan3A_158, %mul3A_247 : vector<16xf32>
        %mul3A_249 = arith.constant 16 : i32
        %mul3A_250 = arith.muli %scan3A_152, %mul3A_249 : i32
        %add3A_251 = arith.constant 6 : i32
        %add3A_252 = arith.addi %mul3A_250, %add3A_251 : i32
        %add3A_253 = vector.broadcast %add3A_252 : i32 to vector<16xi32>
        %add3A_254 = arith.addi %iota3A, %add3A_253 : vector<16xi32>
        %and3A_255 = arith.constant 127 : i32
        %and3A_256 = vector.broadcast %and3A_255 : i32 to vector<16xi32>
        %and3A_257 = arith.andi %add3A_254, %and3A_256 : vector<16xi32>
        %add3A_258 = arith.addi %mul3A_101, %and3A_257 : vector<16xi32>
        %gather3A_259 = tpu.vector_load_idx %arg7[%add3A_258] : memref<65536xf32, #tpu.memory_space<vmem>>[vector<16xi32>], vector<16xf32>,
        %gather3A_260 = tpu.vector_load_idx %arg8[%add3A_95, %and3A_257] : memref<128x128xf32, #tpu.memory_space<vmem>>[vector<16xi32>, vector<16xi32>], vector<16xf32>,
        %sub3A_261 = arith.subf %gather3A_259, %gather3A_260 : vector<16xf32>
        %mul3A_262 = arith.mulf %sub3A_261, %sub3A_261 : vector<16xf32>
        %add3A_263 = arith.addf %scan3A_159, %mul3A_262 : vector<16xf32>
        %mul3A_264 = arith.constant 16 : i32
        %mul3A_265 = arith.muli %scan3A_152, %mul3A_264 : i32
        %add3A_266 = arith.constant 7 : i32
        %add3A_267 = arith.addi %mul3A_265, %add3A_266 : i32
        %add3A_268 = vector.broadcast %add3A_267 : i32 to vector<16xi32>
        %add3A_269 = arith.addi %iota3A, %add3A_268 : vector<16xi32>
        %and3A_270 = arith.constant 127 : i32
        %and3A_271 = vector.broadcast %and3A_270 : i32 to vector<16xi32>
        %and3A_272 = arith.andi %add3A_269, %and3A_271 : vector<16xi32>
        %add3A_273 = arith.addi %mul3A_101, %and3A_272 : vector<16xi32>
        %gather3A_274 = tpu.vector_load_idx %arg7[%add3A_273] : memref<65536xf32, #tpu.memory_space<vmem>>[vector<16xi32>], vector<16xf32>,
        %gather3A_275 = tpu.vector_load_idx %arg8[%add3A_95, %and3A_272] : memref<128x128xf32, #tpu.memory_space<vmem>>[vector<16xi32>, vector<16xi32>], vector<16xf32>,
        %sub3A_276 = arith.subf %gather3A_274, %gather3A_275 : vector<16xf32>
        %mul3A_277 = arith.mulf %sub3A_276, %sub3A_276 : vector<16xf32>
        %add3A_278 = arith.addf %scan3A_160, %mul3A_277 : vector<16xf32>
        %mul3A_279 = arith.constant 16 : i32
        %mul3A_280 = arith.muli %scan3A_152, %mul3A_279 : i32
        %add3A_281 = arith.constant 8 : i32
        %add3A_282 = arith.addi %mul3A_280, %add3A_281 : i32
        %add3A_283 = vector.broadcast %add3A_282 : i32 to vector<16xi32>
        %add3A_284 = arith.addi %iota3A, %add3A_283 : vector<16xi32>
        %and3A_285 = arith.constant 127 : i32
        %and3A_286 = vector.broadcast %and3A_285 : i32 to vector<16xi32>
        %and3A_287 = arith.andi %add3A_284, %and3A_286 : vector<16xi32>
        %add3A_288 = arith.addi %mul3A_101, %and3A_287 : vector<16xi32>
        %gather3A_289 = tpu.vector_load_idx %arg7[%add3A_288] : memref<65536xf32, #tpu.memory_space<vmem>>[vector<16xi32>], vector<16xf32>,
        %gather3A_290 = tpu.vector_load_idx %arg8[%add3A_95, %and3A_287] : memref<128x128xf32, #tpu.memory_space<vmem>>[vector<16xi32>, vector<16xi32>], vector<16xf32>,
        %sub3A_291 = arith.subf %gather3A_289, %gather3A_290 : vector<16xf32>
        %mul3A_292 = arith.mulf %sub3A_291, %sub3A_291 : vector<16xf32>
        %add3A_293 = arith.addf %add3A_173, %mul3A_292 : vector<16xf32>
        %mul3A_294 = arith.constant 16 : i32
        %mul3A_295 = arith.muli %scan3A_152, %mul3A_294 : i32
        %add3A_296 = arith.constant 9 : i32
        %add3A_297 = arith.addi %mul3A_295, %add3A_296 : i32
        %add3A_298 = vector.broadcast %add3A_297 : i32 to vector<16xi32>
        %add3A_299 = arith.addi %iota3A, %add3A_298 : vector<16xi32>
        %and3A_300 = arith.constant 127 : i32
        %and3A_301 = vector.broadcast %and3A_300 : i32 to vector<16xi32>
        %and3A_302 = arith.andi %add3A_299, %and3A_301 : vector<16xi32>
        %add3A_303 = arith.addi %mul3A_101, %and3A_302 : vector<16xi32>
        %gather3A_304 = tpu.vector_load_idx %arg7[%add3A_303] : memref<65536xf32, #tpu.memory_space<vmem>>[vector<16xi32>], vector<16xf32>,
        %gather3A_305 = tpu.vector_load_idx %arg8[%add3A_95, %and3A_302] : memref<128x128xf32, #tpu.memory_space<vmem>>[vector<16xi32>, vector<16xi32>], vector<16xf32>,
        %sub3A_306 = arith.subf %gather3A_304, %gather3A_305 : vector<16xf32>
        %mul3A_307 = arith.mulf %sub3A_306, %sub3A_306 : vector<16xf32>
        %add3A_308 = arith.addf %add3A_188, %mul3A_307 : vector<16xf32>
        %mul3A_309 = arith.constant 16 : i32
        %mul3A_310 = arith.muli %scan3A_152, %mul3A_309 : i32
        %add3A_311 = arith.constant 10 : i32
        %add3A_312 = arith.addi %mul3A_310, %add3A_311 : i32
        %add3A_313 = vector.broadcast %add3A_312 : i32 to vector<16xi32>
        %add3A_314 = arith.addi %iota3A, %add3A_313 : vector<16xi32>
        %and3A_315 = arith.constant 127 : i32
        %and3A_316 = vector.broadcast %and3A_315 : i32 to vector<16xi32>
        %and3A_317 = arith.andi %add3A_314, %and3A_316 : vector<16xi32>
        %add3A_318 = arith.addi %mul3A_101, %and3A_317 : vector<16xi32>
        %gather3A_319 = tpu.vector_load_idx %arg7[%add3A_318] : memref<65536xf32, #tpu.memory_space<vmem>>[vector<16xi32>], vector<16xf32>,
        %gather3A_320 = tpu.vector_load_idx %arg8[%add3A_95, %and3A_317] : memref<128x128xf32, #tpu.memory_space<vmem>>[vector<16xi32>, vector<16xi32>], vector<16xf32>,
        %sub3A_321 = arith.subf %gather3A_319, %gather3A_320 : vector<16xf32>
        %mul3A_322 = arith.mulf %sub3A_321, %sub3A_321 : vector<16xf32>
        %add3A_323 = arith.addf %add3A_203, %mul3A_322 : vector<16xf32>
        %mul3A_324 = arith.constant 16 : i32
        %mul3A_325 = arith.muli %scan3A_152, %mul3A_324 : i32
        %add3A_326 = arith.constant 11 : i32
        %add3A_327 = arith.addi %mul3A_325, %add3A_326 : i32
        %add3A_328 = vector.broadcast %add3A_327 : i32 to vector<16xi32>
        %add3A_329 = arith.addi %iota3A, %add3A_328 : vector<16xi32>
        %and3A_330 = arith.constant 127 : i32
        %and3A_331 = vector.broadcast %and3A_330 : i32 to vector<16xi32>
        %and3A_332 = arith.andi %add3A_329, %and3A_331 : vector<16xi32>
        %add3A_333 = arith.addi %mul3A_101, %and3A_332 : vector<16xi32>
        %gather3A_334 = tpu.vector_load_idx %arg7[%add3A_333] : memref<65536xf32, #tpu.memory_space<vmem>>[vector<16xi32>], vector<16xf32>,
        %gather3A_335 = tpu.vector_load_idx %arg8[%add3A_95, %and3A_332] : memref<128x128xf32, #tpu.memory_space<vmem>>[vector<16xi32>, vector<16xi32>], vector<16xf32>,
        %sub3A_336 = arith.subf %gather3A_334, %gather3A_335 : vector<16xf32>
        %mul3A_337 = arith.mulf %sub3A_336, %sub3A_336 : vector<16xf32>
        %add3A_338 = arith.addf %add3A_218, %mul3A_337 : vector<16xf32>
        %mul3A_339 = arith.constant 16 : i32
        %mul3A_340 = arith.muli %scan3A_152, %mul3A_339 : i32
        %add3A_341 = arith.constant 12 : i32
        %add3A_342 = arith.addi %mul3A_340, %add3A_341 : i32
        %add3A_343 = vector.broadcast %add3A_342 : i32 to vector<16xi32>
        %add3A_344 = arith.addi %iota3A, %add3A_343 : vector<16xi32>
        %and3A_345 = arith.constant 127 : i32
        %and3A_346 = vector.broadcast %and3A_345 : i32 to vector<16xi32>
        %and3A_347 = arith.andi %add3A_344, %and3A_346 : vector<16xi32>
        %add3A_348 = arith.addi %mul3A_101, %and3A_347 : vector<16xi32>
        %gather3A_349 = tpu.vector_load_idx %arg7[%add3A_348] : memref<65536xf32, #tpu.memory_space<vmem>>[vector<16xi32>], vector<16xf32>,
        %gather3A_350 = tpu.vector_load_idx %arg8[%add3A_95, %and3A_347] : memref<128x128xf32, #tpu.memory_space<vmem>>[vector<16xi32>, vector<16xi32>], vector<16xf32>,
        %sub3A_351 = arith.subf %gather3A_349, %gather3A_350 : vector<16xf32>
        %mul3A_352 = arith.mulf %sub3A_351, %sub3A_351 : vector<16xf32>
        %add3A_353 = arith.addf %add3A_233, %mul3A_352 : vector<16xf32>
        %mul3A_354 = arith.constant 16 : i32
        %mul3A_355 = arith.muli %scan3A_152, %mul3A_354 : i32
        %add3A_356 = arith.constant 13 : i32
        %add3A_357 = arith.addi %mul3A_355, %add3A_356 : i32
        %add3A_358 = vector.broadcast %add3A_357 : i32 to vector<16xi32>
        %add3A_359 = arith.addi %iota3A, %add3A_358 : vector<16xi32>
        %and3A_360 = arith.constant 127 : i32
        %and3A_361 = vector.broadcast %and3A_360 : i32 to vector<16xi32>
        %and3A_362 = arith.andi %add3A_359, %and3A_361 : vector<16xi32>
        %add3A_363 = arith.addi %mul3A_101, %and3A_362 : vector<16xi32>
        %gather3A_364 = tpu.vector_load_idx %arg7[%add3A_363] : memref<65536xf32, #tpu.memory_space<vmem>>[vector<16xi32>], vector<16xf32>,
        %gather3A_365 = tpu.vector_load_idx %arg8[%add3A_95, %and3A_362] : memref<128x128xf32, #tpu.memory_space<vmem>>[vector<16xi32>, vector<16xi32>], vector<16xf32>,
        %sub3A_366 = arith.subf %gather3A_364, %gather3A_365 : vector<16xf32>
        %mul3A_367 = arith.mulf %sub3A_366, %sub3A_366 : vector<16xf32>
        %add3A_368 = arith.addf %add3A_248, %mul3A_367 : vector<16xf32>
        %mul3A_369 = arith.constant 16 : i32
        %mul3A_370 = arith.muli %scan3A_152, %mul3A_369 : i32
        %add3A_371 = arith.constant 14 : i32
        %add3A_372 = arith.addi %mul3A_370, %add3A_371 : i32
        %add3A_373 = vector.broadcast %add3A_372 : i32 to vector<16xi32>
        %add3A_374 = arith.addi %iota3A, %add3A_373 : vector<16xi32>
        %and3A_375 = arith.constant 127 : i32
        %and3A_376 = vector.broadcast %and3A_375 : i32 to vector<16xi32>
        %and3A_377 = arith.andi %add3A_374, %and3A_376 : vector<16xi32>
        %add3A_378 = arith.addi %mul3A_101, %and3A_377 : vector<16xi32>
        %gather3A_379 = tpu.vector_load_idx %arg7[%add3A_378] : memref<65536xf32, #tpu.memory_space<vmem>>[vector<16xi32>], vector<16xf32>,
        %gather3A_380 = tpu.vector_load_idx %arg8[%add3A_95, %and3A_377] : memref<128x128xf32, #tpu.memory_space<vmem>>[vector<16xi32>, vector<16xi32>], vector<16xf32>,
        %sub3A_381 = arith.subf %gather3A_379, %gather3A_380 : vector<16xf32>
        %mul3A_382 = arith.mulf %sub3A_381, %sub3A_381 : vector<16xf32>
        %add3A_383 = arith.addf %add3A_263, %mul3A_382 : vector<16xf32>
        %mul3A_384 = arith.constant 16 : i32
        %mul3A_385 = arith.muli %scan3A_152, %mul3A_384 : i32
        %add3A_386 = arith.constant 15 : i32
        %add3A_387 = arith.addi %mul3A_385, %add3A_386 : i32
        %add3A_388 = vector.broadcast %add3A_387 : i32 to vector<16xi32>
        %add3A_389 = arith.addi %iota3A, %add3A_388 : vector<16xi32>
        %and3A_390 = arith.constant 127 : i32
        %and3A_391 = vector.broadcast %and3A_390 : i32 to vector<16xi32>
        %and3A_392 = arith.andi %add3A_389, %and3A_391 : vector<16xi32>
        %add3A_393 = arith.addi %mul3A_101, %and3A_392 : vector<16xi32>
        %gather3A_394 = tpu.vector_load_idx %arg7[%add3A_393] : memref<65536xf32, #tpu.memory_space<vmem>>[vector<16xi32>], vector<16xf32>,
        %gather3A_395 = tpu.vector_load_idx %arg8[%add3A_95, %and3A_392] : memref<128x128xf32, #tpu.memory_space<vmem>>[vector<16xi32>, vector<16xi32>], vector<16xf32>,
        %sub3A_396 = arith.subf %gather3A_394, %gather3A_395 : vector<16xf32>
        %mul3A_397 = arith.mulf %sub3A_396, %sub3A_396 : vector<16xf32>
        %add3A_398 = arith.addf %add3A_278, %mul3A_397 : vector<16xf32>
        scf.yield %add3A_293, %add3A_308, %add3A_323, %add3A_338, %add3A_353, %add3A_368, %add3A_383, %add3A_398 : vector<16xf32>, vector<16xf32>, vector<16xf32>, vector<16xf32>, vector<16xf32>, vector<16xf32>, vector<16xf32>, vector<16xf32>
      }
      %scan3A_108 = arith.constant 8 : i32
      %add3A_109 = arith.addf %scan3A_107#0, %scan3A_107#1 : vector<16xf32>
      %add3A_110 = arith.addf %scan3A_107#2, %scan3A_107#3 : vector<16xf32>
      %add3A_111 = arith.addf %scan3A_107#4, %scan3A_107#5 : vector<16xf32>
      %add3A_112 = arith.addf %scan3A_107#6, %scan3A_107#7 : vector<16xf32>
      %add3A_113 = arith.addf %add3A_109, %add3A_110 : vector<16xf32>
      %add3A_114 = arith.addf %add3A_111, %add3A_112 : vector<16xf32>
      %add3A_115 = arith.addf %add3A_113, %add3A_114 : vector<16xf32>
      %bitcast3A = vector.bitcast %add3A_115 : vector<16xf32> to vector<16xi32>
      %shift_right_logical3A = arith.constant 1 : i32
      %shift_right_logical3A_116 = vector.broadcast %shift_right_logical3A : i32 to vector<16xi32>
      %shift_right_logical3A_117 = arith.shrui %bitcast3A, %shift_right_logical3A_116 : vector<16xi32>
      %sub3A = arith.constant 1597463007 : i32
      %sub3A_118 = vector.broadcast %sub3A : i32 to vector<16xi32>
      %sub3A_119 = arith.subi %sub3A_118, %shift_right_logical3A_117 : vector<16xi32>
      %bitcast3A_120 = vector.bitcast %sub3A_119 : vector<16xi32> to vector<16xf32>
      %mul3A_121 = arith.constant 5.000000e-01 : f32
      %mul3A_122 = vector.broadcast %mul3A_121 : f32 to vector<16xf32>
      %mul3A_123 = arith.mulf %add3A_115, %mul3A_122 : vector<16xf32>
      %mul3A_124 = arith.mulf %mul3A_123, %bitcast3A_120 : vector<16xf32>
      %mul3A_125 = arith.mulf %mul3A_124, %bitcast3A_120 : vector<16xf32>
      %sub3A_126 = arith.constant 1.500000e+00 : f32
      %sub3A_127 = vector.broadcast %sub3A_126 : f32 to vector<16xf32>
      %sub3A_128 = arith.subf %sub3A_127, %mul3A_125 : vector<16xf32>
      %mul3A_129 = arith.mulf %bitcast3A_120, %sub3A_128 : vector<16xf32>
      %mul3A_130 = arith.mulf %mul3A_123, %mul3A_129 : vector<16xf32>
      %mul3A_131 = arith.mulf %mul3A_130, %mul3A_129 : vector<16xf32>
      %sub3A_132 = arith.constant 1.500000e+00 : f32
      %sub3A_133 = vector.broadcast %sub3A_132 : f32 to vector<16xf32>
      %sub3A_134 = arith.subf %sub3A_133, %mul3A_131 : vector<16xf32>
      %mul3A_135 = arith.mulf %mul3A_129, %sub3A_134 : vector<16xf32>
      %mul3A_136 = arith.mulf %mul3A_123, %mul3A_135 : vector<16xf32>
      %mul3A_137 = arith.mulf %mul3A_136, %mul3A_135 : vector<16xf32>
      %sub3A_138 = arith.constant 1.500000e+00 : f32
      %sub3A_139 = vector.broadcast %sub3A_138 : f32 to vector<16xf32>
      %sub3A_140 = arith.subf %sub3A_139, %mul3A_137 : vector<16xf32>
      %mul3A_141 = arith.mulf %mul3A_135, %sub3A_140 : vector<16xf32>
      %mul3A_142 = arith.mulf %add3A_115, %mul3A_141 : vector<16xf32>
      %mul3A_143 = arith.constant 7.812500e-03 : f32
      %mul3A_144 = vector.broadcast %mul3A_143 : f32 to vector<16xf32>
      %mul3A_145 = arith.mulf %mul3A_142, %mul3A_144 : vector<16xf32>
      %mul3A_146 = arith.constant 16 : i32
      %mul3A_147 = arith.muli %scan3A_90, %mul3A_146 : i32
      %add3A_148 = arith.constant 256 : i32
      %add3A_149 = arith.addi %add3A_148, %mul3A_147 : i32
      %swap3A = arith.index_cast %add3A_149 : i32 to index
      %swap3A_150 = tpu.vector_load %arg10[%swap3A] {strides = array<i32>} : memref<512xf32, #tpu.memory_space<vmem>>, vector<16xf32>,
      tpu.vector_store %arg10[%swap3A], %mul3A_145 {strides = array<i32>} : memref<512xf32, #tpu.memory_space<vmem>>, vector<16xf32>,
      %scan3A_151 = arith.constant 0 : i32
      scf.yield %scan3A_151 : i32
    }
    %scan3A_75 = arith.constant 8 : i32
    %dma_wait3A_76 = arith.constant 3 : i32
    %dma_wait3A_77 = arith.constant 0 : i32
    %dma_wait3A_78 = tpu.memref_slice %arg6[%dma_wait3A_76, %dma_wait3A_77] : memref<4x128xi32, #tpu.memory_space<vmem>> -> memref<1x128xi32, #tpu.memory_space<vmem>>
    %dma_wait3A_79 = tpu.memref_squeeze %dma_wait3A_78 : memref<1x128xi32, #tpu.memory_space<vmem>> -> memref<128xi32, #tpu.memory_space<vmem>>
    %dma_wait3A_80 = arith.constant 0 : i32
    %dma_wait3A_81 = arith.constant 0 : i32
    %dma_wait3A_82 = tpu.memref_slice %arg4[%dma_wait3A_80, %dma_wait3A_81] : memref<100000x128xf32, #tpu.memory_space<hbm>> -> memref<100000x128xf32, #tpu.memory_space<hbm>>
    tpu.wait_indirect_dma semaphore(%arg12 : memref<!tpu.dma_semaphore, #tpu.memory_space<semaphore_mem>>) src(%dma_wait3A_82 : memref<100000x128xf32, #tpu.memory_space<hbm>>) dst(%arg9 : memref<128x128xf32, #tpu.memory_space<vmem>>)
    %scan3A_83 = arith.constant 0 : i32
    %scan3A_84 = arith.constant 0 : i32
    %scan3A_85 = arith.constant 8 : i32
    %scan3A_86 = arith.addi %scan3A_84, %scan3A_85 : i32
    %scan3A_87 = arith.constant 1 : i32
    %scan3A_88 = scf.for %scan3A_90 = %scan3A_84 to %scan3A_86 step %scan3A_87 iter_args(%scan3A_91 = %scan3A_83) -> (i32)  : i32 {
      %mul3A_92 = arith.constant 16 : i32
      %mul3A_93 = arith.muli %scan3A_90, %mul3A_92 : i32
      %add3A_94 = vector.broadcast %mul3A_93 : i32 to vector<16xi32>
      %add3A_95 = arith.addi %iota3A, %add3A_94 : vector<16xi32>
      %add3A_96 = arith.constant 384 : i32
      %add3A_97 = vector.broadcast %add3A_96 : i32 to vector<16xi32>
      %add3A_98 = arith.addi %add3A_95, %add3A_97 : vector<16xi32>
      %mul3A_99 = arith.constant 128 : i32
      %mul3A_100 = vector.broadcast %mul3A_99 : i32 to vector<16xi32>
      %mul3A_101 = arith.muli %add3A_98, %mul3A_100 : vector<16xi32>
      %broadcast_in_dim3A = arith.constant 0.000000e+00 : f32
      %broadcast_in_dim3A_102 = vector.broadcast %broadcast_in_dim3A : f32 to vector<16xf32>
      %scan3A_103 = arith.constant 0 : i32
      %scan3A_104 = arith.constant 8 : i32
      %scan3A_105 = arith.addi %scan3A_103, %scan3A_104 : i32
      %scan3A_106 = arith.constant 1 : i32
      %scan3A_107:8 = scf.for %scan3A_152 = %scan3A_103 to %scan3A_105 step %scan3A_106 iter_args(%scan3A_153 = %broadcast_in_dim3A_102, %scan3A_154 = %broadcast_in_dim3A_102, %scan3A_155 = %broadcast_in_dim3A_102, %scan3A_156 = %broadcast_in_dim3A_102, %scan3A_157 = %broadcast_in_dim3A_102, %scan3A_158 = %broadcast_in_dim3A_102, %scan3A_159 = %broadcast_in_dim3A_102, %scan3A_160 = %broadcast_in_dim3A_102) -> (vector<16xf32>, vector<16xf32>, vector<16xf32>, vector<16xf32>, vector<16xf32>, vector<16xf32>, vector<16xf32>, vector<16xf32>)  : i32 {
        %mul3A_161 = arith.constant 16 : i32
        %mul3A_162 = arith.muli %scan3A_152, %mul3A_161 : i32
        %add3A_163 = arith.constant 0 : i32
        %add3A_164 = arith.addi %mul3A_162, %add3A_163 : i32
        %add3A_165 = vector.broadcast %add3A_164 : i32 to vector<16xi32>
        %add3A_166 = arith.addi %iota3A, %add3A_165 : vector<16xi32>
        %and3A = arith.constant 127 : i32
        %and3A_167 = vector.broadcast %and3A : i32 to vector<16xi32>
        %and3A_168 = arith.andi %add3A_166, %and3A_167 : vector<16xi32>
        %add3A_169 = arith.addi %mul3A_101, %and3A_168 : vector<16xi32>
        %gather3A = tpu.vector_load_idx %arg7[%add3A_169] : memref<65536xf32, #tpu.memory_space<vmem>>[vector<16xi32>], vector<16xf32>,
        %gather3A_170 = tpu.vector_load_idx %arg9[%add3A_95, %and3A_168] : memref<128x128xf32, #tpu.memory_space<vmem>>[vector<16xi32>, vector<16xi32>], vector<16xf32>,
        %sub3A_171 = arith.subf %gather3A, %gather3A_170 : vector<16xf32>
        %mul3A_172 = arith.mulf %sub3A_171, %sub3A_171 : vector<16xf32>
        %add3A_173 = arith.addf %scan3A_153, %mul3A_172 : vector<16xf32>
        %mul3A_174 = arith.constant 16 : i32
        %mul3A_175 = arith.muli %scan3A_152, %mul3A_174 : i32
        %add3A_176 = arith.constant 1 : i32
        %add3A_177 = arith.addi %mul3A_175, %add3A_176 : i32
        %add3A_178 = vector.broadcast %add3A_177 : i32 to vector<16xi32>
        %add3A_179 = arith.addi %iota3A, %add3A_178 : vector<16xi32>
        %and3A_180 = arith.constant 127 : i32
        %and3A_181 = vector.broadcast %and3A_180 : i32 to vector<16xi32>
        %and3A_182 = arith.andi %add3A_179, %and3A_181 : vector<16xi32>
        %add3A_183 = arith.addi %mul3A_101, %and3A_182 : vector<16xi32>
        %gather3A_184 = tpu.vector_load_idx %arg7[%add3A_183] : memref<65536xf32, #tpu.memory_space<vmem>>[vector<16xi32>], vector<16xf32>,
        %gather3A_185 = tpu.vector_load_idx %arg9[%add3A_95, %and3A_182] : memref<128x128xf32, #tpu.memory_space<vmem>>[vector<16xi32>, vector<16xi32>], vector<16xf32>,
        %sub3A_186 = arith.subf %gather3A_184, %gather3A_185 : vector<16xf32>
        %mul3A_187 = arith.mulf %sub3A_186, %sub3A_186 : vector<16xf32>
        %add3A_188 = arith.addf %scan3A_154, %mul3A_187 : vector<16xf32>
        %mul3A_189 = arith.constant 16 : i32
        %mul3A_190 = arith.muli %scan3A_152, %mul3A_189 : i32
        %add3A_191 = arith.constant 2 : i32
        %add3A_192 = arith.addi %mul3A_190, %add3A_191 : i32
        %add3A_193 = vector.broadcast %add3A_192 : i32 to vector<16xi32>
        %add3A_194 = arith.addi %iota3A, %add3A_193 : vector<16xi32>
        %and3A_195 = arith.constant 127 : i32
        %and3A_196 = vector.broadcast %and3A_195 : i32 to vector<16xi32>
        %and3A_197 = arith.andi %add3A_194, %and3A_196 : vector<16xi32>
        %add3A_198 = arith.addi %mul3A_101, %and3A_197 : vector<16xi32>
        %gather3A_199 = tpu.vector_load_idx %arg7[%add3A_198] : memref<65536xf32, #tpu.memory_space<vmem>>[vector<16xi32>], vector<16xf32>,
        %gather3A_200 = tpu.vector_load_idx %arg9[%add3A_95, %and3A_197] : memref<128x128xf32, #tpu.memory_space<vmem>>[vector<16xi32>, vector<16xi32>], vector<16xf32>,
        %sub3A_201 = arith.subf %gather3A_199, %gather3A_200 : vector<16xf32>
        %mul3A_202 = arith.mulf %sub3A_201, %sub3A_201 : vector<16xf32>
        %add3A_203 = arith.addf %scan3A_155, %mul3A_202 : vector<16xf32>
        %mul3A_204 = arith.constant 16 : i32
        %mul3A_205 = arith.muli %scan3A_152, %mul3A_204 : i32
        %add3A_206 = arith.constant 3 : i32
        %add3A_207 = arith.addi %mul3A_205, %add3A_206 : i32
        %add3A_208 = vector.broadcast %add3A_207 : i32 to vector<16xi32>
        %add3A_209 = arith.addi %iota3A, %add3A_208 : vector<16xi32>
        %and3A_210 = arith.constant 127 : i32
        %and3A_211 = vector.broadcast %and3A_210 : i32 to vector<16xi32>
        %and3A_212 = arith.andi %add3A_209, %and3A_211 : vector<16xi32>
        %add3A_213 = arith.addi %mul3A_101, %and3A_212 : vector<16xi32>
        %gather3A_214 = tpu.vector_load_idx %arg7[%add3A_213] : memref<65536xf32, #tpu.memory_space<vmem>>[vector<16xi32>], vector<16xf32>,
        %gather3A_215 = tpu.vector_load_idx %arg9[%add3A_95, %and3A_212] : memref<128x128xf32, #tpu.memory_space<vmem>>[vector<16xi32>, vector<16xi32>], vector<16xf32>,
        %sub3A_216 = arith.subf %gather3A_214, %gather3A_215 : vector<16xf32>
        %mul3A_217 = arith.mulf %sub3A_216, %sub3A_216 : vector<16xf32>
        %add3A_218 = arith.addf %scan3A_156, %mul3A_217 : vector<16xf32>
        %mul3A_219 = arith.constant 16 : i32
        %mul3A_220 = arith.muli %scan3A_152, %mul3A_219 : i32
        %add3A_221 = arith.constant 4 : i32
        %add3A_222 = arith.addi %mul3A_220, %add3A_221 : i32
        %add3A_223 = vector.broadcast %add3A_222 : i32 to vector<16xi32>
        %add3A_224 = arith.addi %iota3A, %add3A_223 : vector<16xi32>
        %and3A_225 = arith.constant 127 : i32
        %and3A_226 = vector.broadcast %and3A_225 : i32 to vector<16xi32>
        %and3A_227 = arith.andi %add3A_224, %and3A_226 : vector<16xi32>
        %add3A_228 = arith.addi %mul3A_101, %and3A_227 : vector<16xi32>
        %gather3A_229 = tpu.vector_load_idx %arg7[%add3A_228] : memref<65536xf32, #tpu.memory_space<vmem>>[vector<16xi32>], vector<16xf32>,
        %gather3A_230 = tpu.vector_load_idx %arg9[%add3A_95, %and3A_227] : memref<128x128xf32, #tpu.memory_space<vmem>>[vector<16xi32>, vector<16xi32>], vector<16xf32>,
        %sub3A_231 = arith.subf %gather3A_229, %gather3A_230 : vector<16xf32>
        %mul3A_232 = arith.mulf %sub3A_231, %sub3A_231 : vector<16xf32>
        %add3A_233 = arith.addf %scan3A_157, %mul3A_232 : vector<16xf32>
        %mul3A_234 = arith.constant 16 : i32
        %mul3A_235 = arith.muli %scan3A_152, %mul3A_234 : i32
        %add3A_236 = arith.constant 5 : i32
        %add3A_237 = arith.addi %mul3A_235, %add3A_236 : i32
        %add3A_238 = vector.broadcast %add3A_237 : i32 to vector<16xi32>
        %add3A_239 = arith.addi %iota3A, %add3A_238 : vector<16xi32>
        %and3A_240 = arith.constant 127 : i32
        %and3A_241 = vector.broadcast %and3A_240 : i32 to vector<16xi32>
        %and3A_242 = arith.andi %add3A_239, %and3A_241 : vector<16xi32>
        %add3A_243 = arith.addi %mul3A_101, %and3A_242 : vector<16xi32>
        %gather3A_244 = tpu.vector_load_idx %arg7[%add3A_243] : memref<65536xf32, #tpu.memory_space<vmem>>[vector<16xi32>], vector<16xf32>,
        %gather3A_245 = tpu.vector_load_idx %arg9[%add3A_95, %and3A_242] : memref<128x128xf32, #tpu.memory_space<vmem>>[vector<16xi32>, vector<16xi32>], vector<16xf32>,
        %sub3A_246 = arith.subf %gather3A_244, %gather3A_245 : vector<16xf32>
        %mul3A_247 = arith.mulf %sub3A_246, %sub3A_246 : vector<16xf32>
        %add3A_248 = arith.addf %scan3A_158, %mul3A_247 : vector<16xf32>
        %mul3A_249 = arith.constant 16 : i32
        %mul3A_250 = arith.muli %scan3A_152, %mul3A_249 : i32
        %add3A_251 = arith.constant 6 : i32
        %add3A_252 = arith.addi %mul3A_250, %add3A_251 : i32
        %add3A_253 = vector.broadcast %add3A_252 : i32 to vector<16xi32>
        %add3A_254 = arith.addi %iota3A, %add3A_253 : vector<16xi32>
        %and3A_255 = arith.constant 127 : i32
        %and3A_256 = vector.broadcast %and3A_255 : i32 to vector<16xi32>
        %and3A_257 = arith.andi %add3A_254, %and3A_256 : vector<16xi32>
        %add3A_258 = arith.addi %mul3A_101, %and3A_257 : vector<16xi32>
        %gather3A_259 = tpu.vector_load_idx %arg7[%add3A_258] : memref<65536xf32, #tpu.memory_space<vmem>>[vector<16xi32>], vector<16xf32>,
        %gather3A_260 = tpu.vector_load_idx %arg9[%add3A_95, %and3A_257] : memref<128x128xf32, #tpu.memory_space<vmem>>[vector<16xi32>, vector<16xi32>], vector<16xf32>,
        %sub3A_261 = arith.subf %gather3A_259, %gather3A_260 : vector<16xf32>
        %mul3A_262 = arith.mulf %sub3A_261, %sub3A_261 : vector<16xf32>
        %add3A_263 = arith.addf %scan3A_159, %mul3A_262 : vector<16xf32>
        %mul3A_264 = arith.constant 16 : i32
        %mul3A_265 = arith.muli %scan3A_152, %mul3A_264 : i32
        %add3A_266 = arith.constant 7 : i32
        %add3A_267 = arith.addi %mul3A_265, %add3A_266 : i32
        %add3A_268 = vector.broadcast %add3A_267 : i32 to vector<16xi32>
        %add3A_269 = arith.addi %iota3A, %add3A_268 : vector<16xi32>
        %and3A_270 = arith.constant 127 : i32
        %and3A_271 = vector.broadcast %and3A_270 : i32 to vector<16xi32>
        %and3A_272 = arith.andi %add3A_269, %and3A_271 : vector<16xi32>
        %add3A_273 = arith.addi %mul3A_101, %and3A_272 : vector<16xi32>
        %gather3A_274 = tpu.vector_load_idx %arg7[%add3A_273] : memref<65536xf32, #tpu.memory_space<vmem>>[vector<16xi32>], vector<16xf32>,
        %gather3A_275 = tpu.vector_load_idx %arg9[%add3A_95, %and3A_272] : memref<128x128xf32, #tpu.memory_space<vmem>>[vector<16xi32>, vector<16xi32>], vector<16xf32>,
        %sub3A_276 = arith.subf %gather3A_274, %gather3A_275 : vector<16xf32>
        %mul3A_277 = arith.mulf %sub3A_276, %sub3A_276 : vector<16xf32>
        %add3A_278 = arith.addf %scan3A_160, %mul3A_277 : vector<16xf32>
        %mul3A_279 = arith.constant 16 : i32
        %mul3A_280 = arith.muli %scan3A_152, %mul3A_279 : i32
        %add3A_281 = arith.constant 8 : i32
        %add3A_282 = arith.addi %mul3A_280, %add3A_281 : i32
        %add3A_283 = vector.broadcast %add3A_282 : i32 to vector<16xi32>
        %add3A_284 = arith.addi %iota3A, %add3A_283 : vector<16xi32>
        %and3A_285 = arith.constant 127 : i32
        %and3A_286 = vector.broadcast %and3A_285 : i32 to vector<16xi32>
        %and3A_287 = arith.andi %add3A_284, %and3A_286 : vector<16xi32>
        %add3A_288 = arith.addi %mul3A_101, %and3A_287 : vector<16xi32>
        %gather3A_289 = tpu.vector_load_idx %arg7[%add3A_288] : memref<65536xf32, #tpu.memory_space<vmem>>[vector<16xi32>], vector<16xf32>,
        %gather3A_290 = tpu.vector_load_idx %arg9[%add3A_95, %and3A_287] : memref<128x128xf32, #tpu.memory_space<vmem>>[vector<16xi32>, vector<16xi32>], vector<16xf32>,
        %sub3A_291 = arith.subf %gather3A_289, %gather3A_290 : vector<16xf32>
        %mul3A_292 = arith.mulf %sub3A_291, %sub3A_291 : vector<16xf32>
        %add3A_293 = arith.addf %add3A_173, %mul3A_292 : vector<16xf32>
        %mul3A_294 = arith.constant 16 : i32
        %mul3A_295 = arith.muli %scan3A_152, %mul3A_294 : i32
        %add3A_296 = arith.constant 9 : i32
        %add3A_297 = arith.addi %mul3A_295, %add3A_296 : i32
        %add3A_298 = vector.broadcast %add3A_297 : i32 to vector<16xi32>
        %add3A_299 = arith.addi %iota3A, %add3A_298 : vector<16xi32>
        %and3A_300 = arith.constant 127 : i32
        %and3A_301 = vector.broadcast %and3A_300 : i32 to vector<16xi32>
        %and3A_302 = arith.andi %add3A_299, %and3A_301 : vector<16xi32>
        %add3A_303 = arith.addi %mul3A_101, %and3A_302 : vector<16xi32>
        %gather3A_304 = tpu.vector_load_idx %arg7[%add3A_303] : memref<65536xf32, #tpu.memory_space<vmem>>[vector<16xi32>], vector<16xf32>,
        %gather3A_305 = tpu.vector_load_idx %arg9[%add3A_95, %and3A_302] : memref<128x128xf32, #tpu.memory_space<vmem>>[vector<16xi32>, vector<16xi32>], vector<16xf32>,
        %sub3A_306 = arith.subf %gather3A_304, %gather3A_305 : vector<16xf32>
        %mul3A_307 = arith.mulf %sub3A_306, %sub3A_306 : vector<16xf32>
        %add3A_308 = arith.addf %add3A_188, %mul3A_307 : vector<16xf32>
        %mul3A_309 = arith.constant 16 : i32
        %mul3A_310 = arith.muli %scan3A_152, %mul3A_309 : i32
        %add3A_311 = arith.constant 10 : i32
        %add3A_312 = arith.addi %mul3A_310, %add3A_311 : i32
        %add3A_313 = vector.broadcast %add3A_312 : i32 to vector<16xi32>
        %add3A_314 = arith.addi %iota3A, %add3A_313 : vector<16xi32>
        %and3A_315 = arith.constant 127 : i32
        %and3A_316 = vector.broadcast %and3A_315 : i32 to vector<16xi32>
        %and3A_317 = arith.andi %add3A_314, %and3A_316 : vector<16xi32>
        %add3A_318 = arith.addi %mul3A_101, %and3A_317 : vector<16xi32>
        %gather3A_319 = tpu.vector_load_idx %arg7[%add3A_318] : memref<65536xf32, #tpu.memory_space<vmem>>[vector<16xi32>], vector<16xf32>,
        %gather3A_320 = tpu.vector_load_idx %arg9[%add3A_95, %and3A_317] : memref<128x128xf32, #tpu.memory_space<vmem>>[vector<16xi32>, vector<16xi32>], vector<16xf32>,
        %sub3A_321 = arith.subf %gather3A_319, %gather3A_320 : vector<16xf32>
        %mul3A_322 = arith.mulf %sub3A_321, %sub3A_321 : vector<16xf32>
        %add3A_323 = arith.addf %add3A_203, %mul3A_322 : vector<16xf32>
        %mul3A_324 = arith.constant 16 : i32
        %mul3A_325 = arith.muli %scan3A_152, %mul3A_324 : i32
        %add3A_326 = arith.constant 11 : i32
        %add3A_327 = arith.addi %mul3A_325, %add3A_326 : i32
        %add3A_328 = vector.broadcast %add3A_327 : i32 to vector<16xi32>
        %add3A_329 = arith.addi %iota3A, %add3A_328 : vector<16xi32>
        %and3A_330 = arith.constant 127 : i32
        %and3A_331 = vector.broadcast %and3A_330 : i32 to vector<16xi32>
        %and3A_332 = arith.andi %add3A_329, %and3A_331 : vector<16xi32>
        %add3A_333 = arith.addi %mul3A_101, %and3A_332 : vector<16xi32>
        %gather3A_334 = tpu.vector_load_idx %arg7[%add3A_333] : memref<65536xf32, #tpu.memory_space<vmem>>[vector<16xi32>], vector<16xf32>,
        %gather3A_335 = tpu.vector_load_idx %arg9[%add3A_95, %and3A_332] : memref<128x128xf32, #tpu.memory_space<vmem>>[vector<16xi32>, vector<16xi32>], vector<16xf32>,
        %sub3A_336 = arith.subf %gather3A_334, %gather3A_335 : vector<16xf32>
        %mul3A_337 = arith.mulf %sub3A_336, %sub3A_336 : vector<16xf32>
        %add3A_338 = arith.addf %add3A_218, %mul3A_337 : vector<16xf32>
        %mul3A_339 = arith.constant 16 : i32
        %mul3A_340 = arith.muli %scan3A_152, %mul3A_339 : i32
        %add3A_341 = arith.constant 12 : i32
        %add3A_342 = arith.addi %mul3A_340, %add3A_341 : i32
        %add3A_343 = vector.broadcast %add3A_342 : i32 to vector<16xi32>
        %add3A_344 = arith.addi %iota3A, %add3A_343 : vector<16xi32>
        %and3A_345 = arith.constant 127 : i32
        %and3A_346 = vector.broadcast %and3A_345 : i32 to vector<16xi32>
        %and3A_347 = arith.andi %add3A_344, %and3A_346 : vector<16xi32>
        %add3A_348 = arith.addi %mul3A_101, %and3A_347 : vector<16xi32>
        %gather3A_349 = tpu.vector_load_idx %arg7[%add3A_348] : memref<65536xf32, #tpu.memory_space<vmem>>[vector<16xi32>], vector<16xf32>,
        %gather3A_350 = tpu.vector_load_idx %arg9[%add3A_95, %and3A_347] : memref<128x128xf32, #tpu.memory_space<vmem>>[vector<16xi32>, vector<16xi32>], vector<16xf32>,
        %sub3A_351 = arith.subf %gather3A_349, %gather3A_350 : vector<16xf32>
        %mul3A_352 = arith.mulf %sub3A_351, %sub3A_351 : vector<16xf32>
        %add3A_353 = arith.addf %add3A_233, %mul3A_352 : vector<16xf32>
        %mul3A_354 = arith.constant 16 : i32
        %mul3A_355 = arith.muli %scan3A_152, %mul3A_354 : i32
        %add3A_356 = arith.constant 13 : i32
        %add3A_357 = arith.addi %mul3A_355, %add3A_356 : i32
        %add3A_358 = vector.broadcast %add3A_357 : i32 to vector<16xi32>
        %add3A_359 = arith.addi %iota3A, %add3A_358 : vector<16xi32>
        %and3A_360 = arith.constant 127 : i32
        %and3A_361 = vector.broadcast %and3A_360 : i32 to vector<16xi32>
        %and3A_362 = arith.andi %add3A_359, %and3A_361 : vector<16xi32>
        %add3A_363 = arith.addi %mul3A_101, %and3A_362 : vector<16xi32>
        %gather3A_364 = tpu.vector_load_idx %arg7[%add3A_363] : memref<65536xf32, #tpu.memory_space<vmem>>[vector<16xi32>], vector<16xf32>,
        %gather3A_365 = tpu.vector_load_idx %arg9[%add3A_95, %and3A_362] : memref<128x128xf32, #tpu.memory_space<vmem>>[vector<16xi32>, vector<16xi32>], vector<16xf32>,
        %sub3A_366 = arith.subf %gather3A_364, %gather3A_365 : vector<16xf32>
        %mul3A_367 = arith.mulf %sub3A_366, %sub3A_366 : vector<16xf32>
        %add3A_368 = arith.addf %add3A_248, %mul3A_367 : vector<16xf32>
        %mul3A_369 = arith.constant 16 : i32
        %mul3A_370 = arith.muli %scan3A_152, %mul3A_369 : i32
        %add3A_371 = arith.constant 14 : i32
        %add3A_372 = arith.addi %mul3A_370, %add3A_371 : i32
        %add3A_373 = vector.broadcast %add3A_372 : i32 to vector<16xi32>
        %add3A_374 = arith.addi %iota3A, %add3A_373 : vector<16xi32>
        %and3A_375 = arith.constant 127 : i32
        %and3A_376 = vector.broadcast %and3A_375 : i32 to vector<16xi32>
        %and3A_377 = arith.andi %add3A_374, %and3A_376 : vector<16xi32>
        %add3A_378 = arith.addi %mul3A_101, %and3A_377 : vector<16xi32>
        %gather3A_379 = tpu.vector_load_idx %arg7[%add3A_378] : memref<65536xf32, #tpu.memory_space<vmem>>[vector<16xi32>], vector<16xf32>,
        %gather3A_380 = tpu.vector_load_idx %arg9[%add3A_95, %and3A_377] : memref<128x128xf32, #tpu.memory_space<vmem>>[vector<16xi32>, vector<16xi32>], vector<16xf32>,
        %sub3A_381 = arith.subf %gather3A_379, %gather3A_380 : vector<16xf32>
        %mul3A_382 = arith.mulf %sub3A_381, %sub3A_381 : vector<16xf32>
        %add3A_383 = arith.addf %add3A_263, %mul3A_382 : vector<16xf32>
        %mul3A_384 = arith.constant 16 : i32
        %mul3A_385 = arith.muli %scan3A_152, %mul3A_384 : i32
        %add3A_386 = arith.constant 15 : i32
        %add3A_387 = arith.addi %mul3A_385, %add3A_386 : i32
        %add3A_388 = vector.broadcast %add3A_387 : i32 to vector<16xi32>
        %add3A_389 = arith.addi %iota3A, %add3A_388 : vector<16xi32>
        %and3A_390 = arith.constant 127 : i32
        %and3A_391 = vector.broadcast %and3A_390 : i32 to vector<16xi32>
        %and3A_392 = arith.andi %add3A_389, %and3A_391 : vector<16xi32>
        %add3A_393 = arith.addi %mul3A_101, %and3A_392 : vector<16xi32>
        %gather3A_394 = tpu.vector_load_idx %arg7[%add3A_393] : memref<65536xf32, #tpu.memory_space<vmem>>[vector<16xi32>], vector<16xf32>,
        %gather3A_395 = tpu.vector_load_idx %arg9[%add3A_95, %and3A_392] : memref<128x128xf32, #tpu.memory_space<vmem>>[vector<16xi32>, vector<16xi32>], vector<16xf32>,
        %sub3A_396 = arith.subf %gather3A_394, %gather3A_395 : vector<16xf32>
        %mul3A_397 = arith.mulf %sub3A_396, %sub3A_396 : vector<16xf32>
        %add3A_398 = arith.addf %add3A_278, %mul3A_397 : vector<16xf32>
        scf.yield %add3A_293, %add3A_308, %add3A_323, %add3A_338, %add3A_353, %add3A_368, %add3A_383, %add3A_398 : vector<16xf32>, vector<16xf32>, vector<16xf32>, vector<16xf32>, vector<16xf32>, vector<16xf32>, vector<16xf32>, vector<16xf32>
      }
      %scan3A_108 = arith.constant 8 : i32
      %add3A_109 = arith.addf %scan3A_107#0, %scan3A_107#1 : vector<16xf32>
      %add3A_110 = arith.addf %scan3A_107#2, %scan3A_107#3 : vector<16xf32>
      %add3A_111 = arith.addf %scan3A_107#4, %scan3A_107#5 : vector<16xf32>
      %add3A_112 = arith.addf %scan3A_107#6, %scan3A_107#7 : vector<16xf32>
      %add3A_113 = arith.addf %add3A_109, %add3A_110 : vector<16xf32>
      %add3A_114 = arith.addf %add3A_111, %add3A_112 : vector<16xf32>
      %add3A_115 = arith.addf %add3A_113, %add3A_114 : vector<16xf32>
      %bitcast3A = vector.bitcast %add3A_115 : vector<16xf32> to vector<16xi32>
      %shift_right_logical3A = arith.constant 1 : i32
      %shift_right_logical3A_116 = vector.broadcast %shift_right_logical3A : i32 to vector<16xi32>
      %shift_right_logical3A_117 = arith.shrui %bitcast3A, %shift_right_logical3A_116 : vector<16xi32>
      %sub3A = arith.constant 1597463007 : i32
      %sub3A_118 = vector.broadcast %sub3A : i32 to vector<16xi32>
      %sub3A_119 = arith.subi %sub3A_118, %shift_right_logical3A_117 : vector<16xi32>
      %bitcast3A_120 = vector.bitcast %sub3A_119 : vector<16xi32> to vector<16xf32>
      %mul3A_121 = arith.constant 5.000000e-01 : f32
      %mul3A_122 = vector.broadcast %mul3A_121 : f32 to vector<16xf32>
      %mul3A_123 = arith.mulf %add3A_115, %mul3A_122 : vector<16xf32>
      %mul3A_124 = arith.mulf %mul3A_123, %bitcast3A_120 : vector<16xf32>
      %mul3A_125 = arith.mulf %mul3A_124, %bitcast3A_120 : vector<16xf32>
      %sub3A_126 = arith.constant 1.500000e+00 : f32
      %sub3A_127 = vector.broadcast %sub3A_126 : f32 to vector<16xf32>
      %sub3A_128 = arith.subf %sub3A_127, %mul3A_125 : vector<16xf32>
      %mul3A_129 = arith.mulf %bitcast3A_120, %sub3A_128 : vector<16xf32>
      %mul3A_130 = arith.mulf %mul3A_123, %mul3A_129 : vector<16xf32>
      %mul3A_131 = arith.mulf %mul3A_130, %mul3A_129 : vector<16xf32>
      %sub3A_132 = arith.constant 1.500000e+00 : f32
      %sub3A_133 = vector.broadcast %sub3A_132 : f32 to vector<16xf32>
      %sub3A_134 = arith.subf %sub3A_133, %mul3A_131 : vector<16xf32>
      %mul3A_135 = arith.mulf %mul3A_129, %sub3A_134 : vector<16xf32>
      %mul3A_136 = arith.mulf %mul3A_123, %mul3A_135 : vector<16xf32>
      %mul3A_137 = arith.mulf %mul3A_136, %mul3A_135 : vector<16xf32>
      %sub3A_138 = arith.constant 1.500000e+00 : f32
      %sub3A_139 = vector.broadcast %sub3A_138 : f32 to vector<16xf32>
      %sub3A_140 = arith.subf %sub3A_139, %mul3A_137 : vector<16xf32>
      %mul3A_141 = arith.mulf %mul3A_135, %sub3A_140 : vector<16xf32>
      %mul3A_142 = arith.mulf %add3A_115, %mul3A_141 : vector<16xf32>
      %mul3A_143 = arith.constant 7.812500e-03 : f32
      %mul3A_144 = vector.broadcast %mul3A_143 : f32 to vector<16xf32>
      %mul3A_145 = arith.mulf %mul3A_142, %mul3A_144 : vector<16xf32>
      %mul3A_146 = arith.constant 16 : i32
      %mul3A_147 = arith.muli %scan3A_90, %mul3A_146 : i32
      %add3A_148 = arith.constant 384 : i32
      %add3A_149 = arith.addi %add3A_148, %mul3A_147 : i32
      %swap3A = arith.index_cast %add3A_149 : i32 to index
      %swap3A_150 = tpu.vector_load %arg10[%swap3A] {strides = array<i32>} : memref<512xf32, #tpu.memory_space<vmem>>, vector<16xf32>,
      tpu.vector_store %arg10[%swap3A], %mul3A_145 {strides = array<i32>} : memref<512xf32, #tpu.memory_space<vmem>>, vector<16xf32>,
      %scan3A_151 = arith.constant 0 : i32
      scf.yield %scan3A_151 : i32
    }
    %scan3A_89 = arith.constant 8 : i32
    "tpu.region"() ({
      %run_scoped3A = tpu.sem_alloc : memref<!tpu.dma_semaphore, #tpu.memory_space<semaphore_mem>>
      %dma_start3A_90 = tpu.memref_slice %arg5[%mul3A_2] : memref<16384xf32, #tpu.memory_space<hbm>> -> memref<512xf32, #tpu.memory_space<hbm>>
      %dma_start3A_91 = tpu.memref_slice %arg5[%mul3A_2] : memref<16384xf32, #tpu.memory_space<hbm>> -> memref<512xf32, #tpu.memory_space<hbm>>
      tpu.enqueue_dma source(%arg10 : memref<512xf32, #tpu.memory_space<vmem>>) target(%dma_start3A_91 : memref<512xf32, #tpu.memory_space<hbm>>) target_semaphore(%run_scoped3A : memref<!tpu.dma_semaphore, #tpu.memory_space<semaphore_mem>>)
      %dma_wait3A_92 = tpu.memref_slice %arg5[%mul3A_2] : memref<16384xf32, #tpu.memory_space<hbm>> -> memref<512xf32, #tpu.memory_space<hbm>>
      %dma_wait3A_93 = tpu.memref_slice %arg5[%mul3A_2] : memref<16384xf32, #tpu.memory_space<hbm>> -> memref<512xf32, #tpu.memory_space<hbm>>
      tpu.wait_dma2 semaphore(%run_scoped3A : memref<!tpu.dma_semaphore, #tpu.memory_space<semaphore_mem>>) src(%arg10 : memref<512xf32, #tpu.memory_space<vmem>>) dst(%dma_wait3A_93 : memref<512xf32, #tpu.memory_space<hbm>>)
      tpu.yield
    }) : () -> ()
    return
  }
}

</mosaic_0001>

<sc_bundles>
// kernel: kernel.3.cloned.1.call-start
scs
__scs_entry_jumppad:
0x0: {  	(pc) =	sbr.rel $0x88, $3  }
0x1: {  	(tag) =	ssettag $0x0;
	lr =	simm.s32 $0x1  }
0x2: {  	[smem:$0x3F9E] =	sst lr;
	_ =	strace $0xD0000000  }
0x3: {  	_ = 	snop  }
0x4: {  	_ = 	snop  }
0x5: {  	_ = 	snop  }
0x6: {  	_ = 	snop  }
0x7: {  	_ = 	snop  }
__scs_overlays_trampoline_lowered:
0x8: {  	[smem:$0x3FAD] =	sst s0  }
0x9: {  	[smem:$0x3FAE] =	sst s1  }
0xa: {  	[smem:$0x3FAF] =	sst s2  }
0xb: {  	[smem:$0x3FB0] =	sst s3  }
0xc: {  	[smem:$0x3FB1] =	sst s4  }
0xd: {  	[smem:$0x3FB2] =	sst s5  }
0xe: {  	[smem:$0x3FB3] =	sst s6  }
0xf: {  	[smem:$0x3FB4] =	sst s7  }
0x10: {  	[smem:$0x3FB5] =	sst s8  }
0x11: {  	[smem:$0x3FB6] =	sst s9;
	s0 =	simm.s32 @!p0 $0x0  }
0x12: {  	s1 =	sld [smem:$0x3F9C];
	s0 =	simm.s32 @p0 $0x1  }
0x13: {  	[smem:$0x3FB7] =	sst s0;
	s0 =	simm.s32 @!p1 $0x0  }
0x14: {  	s2 =	sld [smem:$0x3F9B];
	s0 =	simm.s32 @p1 $0x1  }
0x15: {  	[smem:$0x3FB8] =	sst s0;
	s0 =	simm.s32 @!p2 $0x0  }
0x16: {  	s3 =	sld [smem:$0x3FDB];
	s0 =	simm.s32 @p2 $0x1  }
0x17: {  	s4 =	simm.s32 $0x1BF5;
	[smem:$0x3FBA] =	sst s0  }
0x18: {  	s0 =	sld [smem:$0x3F9D];
	_ =	swait.ge [sflag:s4], $0x0  }
0x19: {  	s7 =	sld [smem:$0x3F9E]  }
0x1a: {  	s8 =	sadd.s32 $0xFFFFE003, lr  }
0x1b: {  	s9 =	sadd.s32 $0xFFFFFEF7, lr;
	s5 =	simm.s32 $0xFFFFFFFF;
	p2 =	slt.u32 s8, $0xFFFFF086  }
0x1c: {  	p1 =	slt.u32 s9, $0xF7A;
	s5 =	simm.s32 @!p2 $0x0  }
0x1d: {  	s5 =	simm.s32 @p1 $0x1;
	p0 =	seq.s32 s7, s2  }
0x1e: {  	s7 =	smul.u32 @!p0 $0xF7A, s2;
	p2 =	seq.s32 @!p0 s5, $0x0  }
0x1f: {  	s9 =	smul.u32 $0xF7A, s1;
	s8 =	simm.s32 @!p0 $0x1BF5;
	p2 =	por !p2, p0  }
0x20: {  	[sflag:s8] =	ssyncset.s32 @!p0 $0xFFFFF086;
	s6 =	sadd.s32 @!p0 s3, s7;
	s7 =	simm.s32 @!p0 $0x108  }
0x21: {  	s3 =	sadd.s32 s3, s9;
	s6 =	sadd.s32 @!p0 $0x88, s6;
	s7 =	simm.s32 @p2 $0x1082  }
0x22: {  	[simem:s7], [sflag:s8] =	dma.local @!p0 [hbm:s6], $0xF7A  }
0x23: {  	s9 =	sor.u32 $0xD0000000, s2;
	s6 =	simm.s32 $0x108;
	_ =	swait.ge @!p0 [sflag:s8], $0x0  }
0x24: {  	s3 =	sadd.s32 $0x88, s3;
	s6 =	simm.s32 @!p1 $0x1082;
	[sflag:s4] =	ssyncset.s32 $0xFFFFF086  }
0x25: {  	[simem:s6], [sflag:s4] =	dma.local [hbm:s3], $0xF7A  }
0x26: {  	[smem:$0x3F9E] =	sst s1;
	(tag) =	ssettag s2;
	_ =	strace s9  }
0x27: {  	s1 =	sld [smem:$0x3FAE]  }
0x28: {  	s2 =	sld [smem:$0x3FAF]  }
0x29: {  	s4 =	sld [smem:$0x3FB1]  }
0x2a: {  	p0 =	seq.s32 s5, $0x0;
	s5 =	sld [smem:$0x3FB2]  }
0x2b: {  	s6 =	sld [smem:$0x3FB3]  }
0x2c: {  	s7 =	sld [smem:$0x3FB4]  }
0x2d: {  	s3 =	simm.s32 $0x108;
	s8 =	sld [smem:$0x3FB5]  }
0x2e: {  	s3 =	simm.s32 @!p0 $0x1082;
	s9 =	sld [smem:$0x3FB6]  }
0x2f: {  	lr =	sadd.s32 s0, s3;
	s0 =	sld [smem:$0x3FAD]  }
0x30: {  	s3 =	sld [smem:$0x3FB0]  }
0x31: {  	[smem:$0x3FB9] =	sst s10  }
0x32: {  	s10 =	sld [smem:$0x3FB7];
	_ =	sdelay $0x3  }
0x33: {  	p0 =	seq.s32 s10, $0x1;
	s10 =	sld [smem:$0x3FB9];
	_ =	sdelay $0x3  }
0x34: {  	[smem:$0x3FB9] =	sst s10  }
0x35: {  	s10 =	sld [smem:$0x3FB8];
	_ =	sdelay $0x3  }
0x36: {  	p1 =	seq.s32 s10, $0x1;
	s10 =	sld [smem:$0x3FB9];
	_ =	sdelay $0x3  }
0x37: {  	[smem:$0x3FB9] =	sst s10  }
0x38: {  	s10 =	sld [smem:$0x3FBA]  }
0x39: {  	_ = 	snop;
	(pc) =	sbr.ind lr, $3  }
0x3a: {  	_ = 	snop  }
0x3b: {  	_ = 	snop  }
0x3c: {  	p2 =	seq.s32 s10, $0x1;
	s10 =	sld [smem:$0x3FB9]  }
0x3d: {  	_ =	shalt  }
0x3e: {  	_ =	shalt  }
0x3f: {  	_ =	shalt  }
0x40: {  	_ =	shalt  }
0x41: {  	_ =	shalt  }
0x42: {  	_ =	shalt  }
0x43: {  	_ =	shalt  }
0x44: {  	_ =	shalt  }
0x45: {  	_ =	shalt  }
0x46: {  	_ =	shalt  }
0x47: {  	_ =	shalt  }
0x48: {  	_ =	shalt  }
0x49: {  	_ =	shalt  }
0x4a: {  	_ =	shalt  }
0x4b: {  	_ =	shalt  }
0x4c: {  	_ =	shalt  }
0x4d: {  	_ =	shalt  }
0x4e: {  	_ =	shalt  }
0x4f: {  	_ =	shalt  }
0x50: {  	_ =	shalt  }
0x51: {  	_ =	shalt  }
0x52: {  	_ =	shalt  }
0x53: {  	_ =	shalt  }
0x54: {  	_ =	shalt  }
0x55: {  	_ =	shalt  }
0x56: {  	_ =	shalt  }
0x57: {  	_ =	shalt  }
0x58: {  	_ =	shalt  }
0x59: {  	_ =	shalt  }
0x5a: {  	_ =	shalt  }
0x5b: {  	_ =	shalt  }
0x5c: {  	_ =	shalt  }
0x5d: {  	_ =	shalt  }
0x5e: {  	_ =	shalt  }
0x5f: {  	_ =	shalt  }
0x60: {  	_ =	shalt  }
0x61: {  	_ =	shalt  }
0x62: {  	_ =	shalt  }
0x63: {  	_ =	shalt  }
0x64: {  	_ =	shalt  }
0x65: {  	_ =	shalt  }
0x66: {  	_ =	shalt  }
0x67: {  	_ =	shalt  }
0x68: {  	_ =	shalt  }
0x69: {  	_ =	shalt  }
0x6a: {  	_ =	shalt  }
0x6b: {  	_ =	shalt  }
0x6c: {  	_ =	shalt  }
0x6d: {  	_ =	shalt  }
0x6e: {  	_ =	shalt  }
0x6f: {  	_ =	shalt  }
0x70: {  	_ =	shalt  }
0x71: {  	_ =	shalt  }
0x72: {  	_ =	shalt  }
0x73: {  	_ =	shalt  }
0x74: {  	_ =	shalt  }
0x75: {  	_ =	shalt  }
0x76: {  	_ =	shalt  }
0x77: {  	_ =	shalt  }
0x78: {  	_ =	shalt  }
0x79: {  	_ =	shalt  }
0x7a: {  	_ =	shalt  }
0x7b: {  	_ =	shalt  }
0x7c: {  	_ =	shalt  }
0x7d: {  	_ =	shalt  }
0x7e: {  	_ =	shalt  }
0x7f: {  	_ =	shalt  }
0x80: {  	_ =	shalt  }
0x81: {  	_ =	shalt  }
0x82: {  	_ =	shalt  }
0x83: {  	_ =	shalt  }
0x84: {  	_ =	shalt  }
0x85: {  	_ =	shalt  }
0x86: {  	_ =	shalt  }
0x87: {  	_ =	shalt  }
.Lfunc_end0:
.L_simem_size_0:
called_computation_lowered:
.L_overlay_start_0:
0x88: {  	s2 =	sld [smem:$0x3FD9]  }
0x89: {  	s3 =	sld [smem:$0x3FFE];
	_ =	sdelay $0x1  }
0x8a: {  	s1 =	srdreg.scid  }
0x8b: {  	s0 =	sand.u32 $0x1, s1  }
0x8c: {  	s18 =	sshll.u32 s0, $0xA;
	s2 =	sadd.s32 s3, s2  }
0x8d: {  	s2 =	sadd.s32 s2, s18  }
0x8e: {  	[smem:$0x3FC5] =	sst s2  }
0x8f: {  	_ = 	snop  }
0x90: {  	s2 =	sld [smem:$0x3FC9]  }
0x91: {  	s19 =	sld [smem:$0x3FC8]  }
0x92: {  	s4 =	sld [smem:$0x3FC7]  }
0x93: {  	s5 =	sld [smem:$0x3FD0];
	(tm) =	ssettm $0x1  }
0x94: {  	s6 =	sld [smem:$0x3FFB];
	_ =	sdelay $0x3  }
0x95: {  	_ =	strace s6  }
0x96: {  	s6 =	sld [smem:$0x3FFC];
	_ =	sdelay $0x3  }
0x97: {  	_ =	strace s6  }
0x98: {  	s6 =	sld [smem:$0x3FFD];
	_ =	sdelay $0x3  }
0x99: {  	_ =	strace s6  }
0x9a: {  	_ =	strace $0x8FFFFFFF  }
0x9b: {  	s20 =	sld [smem:$0x3FDB];
	_ =	sdelay $0x1  }
0x9c: {  	s7 =	simm.s32 $_scs_section_size  }
0x9d: {  	s8 =	simm.s32 $_size__tile_overlayer_lowered;
	s9 =	simm.s32 $_tile_overlayer_lowered  }
0x9e: {  	s23 =	simm.s32 $0x1BFF;
	s22 =	sshll.u32 s9, $0x1;
	s6 =	sadd.s32 s7, s20  }
0x9f: {  	s10 =	simm.s32 $0x0;
	s21 =	sshll.u32 s8, $0x1;
	s8 =	sadd.s32 s22, s6  }
0xa0: {  	[timem:s10], [sflag:s23] =	dma.local [hbm:s8], s21  }
0xa1: {  	_ =	swait.ge [sflag:s23], s21  }
0xa2: {  	s7 =	ssub.s32 $0x0, s21;
	[sflag:s23] =	ssyncset.done $0x0  }
0xa3: {  	[sflag:s23] =	ssyncadd.s32 s7;
	_ =	sdelay $0x1  }
0xa4: {  	s24 =	simm.s32 $0x1B8B  }
0xa5: {  	_ =	swait.ge [sflag:s24], $0x1  }
0xa6: {  	[sflag:s24] =	ssyncset.done $0x0  }
0xa7: {  	s25 =	simm.s32 $0x1B8E;
	[sflag:s24] =	ssyncadd.s32 $0xFFFFFFFF  }
0xa8: {  	s26 =	simm.s32 $execute0_lowered;
	[smem:$0x3FD2] =	sst s25  }
0xa9: {  	s7 =	sshll.u32 s26, $0x1;
	_ =	strace $0x80000046;
	[dreg:$0x1] =	wrdreg $0xFFFFFFFF  }
0xaa: {  	s28 =	simm.s32 $_size_execute0_lowered;
	s6 =	sadd.s32 s6, s7;
	[dreg:$0x0] =	wrdreg $0x0  }
0xab: {  	s7 =	sshll.u32 s28, $0x1;
	[dreg:$0x2] =	wrdreg s6  }
0xac: {  	[dreg:$0x3] =	wrdreg s7  }
0xad: {  	[dreg:$0x4] =	wrdreg $0xC0  }
0xae: {  	_ =	task [dreg:s10], $0x5FFFF  }
0xaf: {  	[dreg:$0x1] =	wrdreg $0xFFFFFFFF  }
0xb0: {  	[dreg:$0x0] =	wrdreg $0x60  }
0xb1: {  	[dreg:$0x2] =	wrdreg s2  }
0xb2: {  	[dreg:$0x3] =	wrdreg s19  }
0xb3: {  	[dreg:$0x4] =	wrdreg s4  }
0xb4: {  	[dreg:$0x5] =	wrdreg s5  }
0xb5: {  	[dreg:$0x6] =	wrdreg $0x9  }
0xb6: {  	_ =	task.clear_ibuf [dreg:s10], $0x7FFFF;
	_ =	strace $0x90000046  }
0xb7: {  	s29 =	simm.s32 $0x9;
	_ =	strace $0x80000048  }
0xb8: {  	_ =	swait.ge [sflag:s29], $0x1  }
0xb9: {  	[sflag:s29] =	ssyncadd.s32 $0xFFFFFFFF  }
0xba: {  	_ =	strace $0x90000048  }
0xbb: {  	_ =	sfence  }
0xbc: {  	s30 =	sld [smem:$0x0];
	_ =	sdelay $0x2  }
0xbd: {  	s31 =	sshll.u32 s1, $0xD;
	s1 =	sshrl.u32 s1, $0x2  }
0xbe: {  	s3 =	sand.u32 $0x4000, s31;
	s1 =	sadd.s32 s1, s30  }
0xbf: {  	s0 =	sor.u32 s3, s0;
	s1 =	sshll.u32 s1, $0x11  }
0xc0: {  	s0 =	sor.u32 s1, s0  }
0xc1: {  	s0 =	sadd.s32 $0x8F2B, s0  }
0xc2: {  	[sflag:s0] =	ssyncadd.remote.s32 $0x1  }
0xc3: {  	_ =	sfence.sel $0xFFFF  }
0xc4: {  	[dreg:$0x0] =	wrdreg $0xFFFFFFFF;
	(pc) =	sbr.abs _section_cstart, $3  }
0xc5: {  	[dreg:$0x1] =	wrdreg $0xFFFFFFFF  }
0xc6: {  	_ =	task.clear_ibuf [dreg:s10], $0x2FFFF;
	_ =	strace $0x9FFFFFFF  }
0xc7: {  	(tm) =	ssettm $0x7FFFFFFF  }
tec
execute0_lowered:
.L_overlay_start_1:
0x0: {  	(tag) =	ssettag $0x1  }
0x1: {  	s5 =	rddreg [dreg:$0x0]  }
0x2: {  	s4 =	rddreg [dreg:$0x1]  }
0x3: {  	s2 =	rddreg [dreg:$0x2]  }
0x4: {  	s6 =	rddreg [dreg:$0x3]  }
0x5: {  	s7 =	srdreg.scid;
	s1 =	stileid.u32  }
0x6: {  	s3 =	simm.s32 $0x0;
	s11 =	simm.s32 $0x10200;
	s12 =	simm.s32 $0x3  }
0x7: {  	s13 =	simm.s32 $0x1;
	s14 =	simm.s32 $0x14200;
	s15 =	simm.s32 $0x2  }
0x8: {  	s16 =	simm.s32 $0x100;
	s17 =	simm.s32 $0x180;
	s18 =	simm.s32 $0x18200  }
0x9: {  	s19 =	simm.s32 $0x0;
	s7 =	sand.u32 $0x1, s7;
	s8 =	sshll.u32 s1, $0x1  }
0xa: {  	[smem:$0x7FF] =	sst s3;
	s9 =	ssub.s32 $0x2, s7;
	s7 =	sor.u32 s7, s8  }
0xb: {  	v0 =	vlaneseq.u32;
	_ =	strace $0x80000047;
	s31 =	sshrl.u32 s9, $0x1;
	s10 =	sshll.u32 s7, $0x6  }
0xc: {  	v1 =	vmul.u32 $0x80, v0;
	s7 =	sshll.u32 s7, $0xD;
	s8 =	ssub.s32 s9, s31;
	s4 =	sadd.s32 s4, s10  }
0xd: {  	s5 =	sadd.s32 s5, s7;
	s6 =	sadd.s32 s6, s10;
	s9 =	simm.s32 $0x200  }
0xe: {  	v2 =	vor.u32 $0x4000, v1;
	s10 =	simm.s32 $0x80;
	s7 =	smax.u32 s8, $0x1;
	s8 =	simm.s32 $0x4  }
.LBB2_1:
0xf: {  	[tilespmem:s3], [sflag:$0x4] =	stream.linear.gather [hbm4b:s4+s3], $0x200, $0x38;
	[tilespmem:$0x18400] =	vst v63  }
0x10: {  	_ =	swait.ge [sflag:s8], $0x200  }
0x11: {  	[sflag:s8] =	ssyncset.done $0x0  }
0x12: {  	[sflag:s8] =	ssyncadd.s32 $0xFFFFFE00  }
0x13: {  	[tilespmem:s9], [sflag:$0x3] =	stream.linear.gather [hbm4b:s5+s3], $0x10000, $0x38;
	[tilespmem:$0x18400] =	vst v63  }
0x14: {  	_ = 	snop  }
0x15: {  	[tilespmem:s11], [sflag:$0x1] =	stream.indirect.gather [hbm4b:s2+s10], $0x80, s3, s10, $0xb8;
	[tilespmem:$0x18400] =	vst v63  }
0x16: {  	_ =	swait.ge [sflag:s12], $0x10000  }
0x17: {  	[sflag:s12] =	ssyncset.done $0x0  }
0x18: {  	[sflag:s12] =	ssyncadd.s32 $0xFFFF0000  }
0x19: {  	_ =	swait.ge [sflag:s13], $0x4000  }
0x1a: {  	[sflag:s13] =	ssyncset.done $0x0  }
0x1b: {  	s20 =	simm.s32 $0x0;
	[sflag:s13] =	ssyncadd.s32 $0xFFFFC000  }
0x1c: {  	[tilespmem:s14], [sflag:$0x2] =	stream.indirect.gather [hbm4b:s2+s10], $0x80, s10, s10, $0xb8;
	[tilespmem:$0x18400] =	vst v63  }
.LBB2_2:
0x1d: {  	s21 =	sshll.u32 s20, $0x4  }
0x1e: {  	s22 =	simm.s32 $0x4;
	v3 =	vmov s21  }
0x1f: {  	v4 =	vadd.s32 s22, v0;
	v3 =	vshll.u32 v3, $0x7  }
0x20: {  	s25 =	simm.s32 $0x1;
	v4 =	vand.u32 $0x7F, v4;
	v3 =	vor.u32 v1, v3  }
0x21: {  	s23 =	simm.s32 $0x2;
	v5 =	vadd.s32 s25, v0;
	v4 =	vor.u32 v3, v4  }
0x22: {  	s26 =	simm.s32 $0x3;
	v6 =	vadd.s32 s23, v0;
	v5 =	vand.u32 $0x7F, v5  }
0x23: {  	v7 =	vadd.s32 s26, v0;
	v6 =	vand.u32 $0x7F, v6;
	v5 =	vor.u32 v3, v5  }
0x24: {  	s28 =	simm.s32 $0x5;
	v7 =	vand.u32 $0x7F, v7;
	v6 =	vor.u32 v3, v6  }
0x25: {  	v8 =	vadd.s32 s28, v0;
	v7 =	vor.u32 v3, v7  }
0x26: {  	v8 =	vand.u32 $0x7F, v8;
	v9 =	vld.idx.msk [tilespmem:v4+s9+$0x0], $0xffff  }
0x27: {  	s29 =	simm.s32 $0xD;
	v8 =	vor.u32 v3, v8;
	v11 =	vld.idx.msk [tilespmem:v4+s11+$0x0], $0xffff  }
0x28: {  	v10 =	vadd.s32 s29, v0;
	v12 =	vld.idx.msk [tilespmem:v5+s9+$0x0], $0xffff  }
0x29: {  	s31 =	simm.s32 $0x9;
	v10 =	vand.u32 $0x7F, v10;
	v16 =	vld.idx.msk [tilespmem:v6+s11+$0x0], $0xffff  }
0x2a: {  	v19 =	vor.u32 v3, v10;
	v10 =	vadd.s32 s31, v0;
	v17 =	vld.idx.msk [tilespmem:v7+s9+$0x0], $0xffff  }
0x2b: {  	v10 =	vand.u32 $0x7F, v10;
	v7 =	vld.idx.msk [tilespmem:v7+s11+$0x0], $0xffff  }
0x2c: {  	v13 =	vimm.f32 $0.0e+00;
	s0 =	simm.s32 $0x6;
	s24 =	simm.s32 $0x7;
	v22 =	vor.u32 v3, v10;
	v20 =	vld.idx.msk [tilespmem:v8+s11+$0x0], $0xffff  }
0x2d: {  	s30 =	simm.s32 $0x0;
	v15 =	vadd.s32 s0, v0;
	v18 =	vadd.s32 s24, v0;
	s25 =	simm.s32 $0xA;
	v4 =	vor.u32 v0, v3;
	v5 =	vld.idx.msk [tilespmem:v5+s11+$0x0], $0xffff  }
0x2e: {  	v15 =	vand.u32 $0x7F, v15;
	v21 =	vadd.s32 s25, v0;
	v6 =	vld.idx.msk [tilespmem:v6+s9+$0x0], $0xffff;
	v14 =	vor.u32 s30, v4  }
0x2f: {  	s26 =	simm.s32 $0xF;
	s28 =	simm.s32 $0x8;
	s29 =	simm.s32 $0xC;
	v18 =	vand.u32 $0x7F, v18;
	v10 =	vand.u32 $0x7F, v21;
	v21 =	vor.u32 v3, v15;
	v15 =	vld.idx.msk [tilespmem:v19+s11+$0x0], $0xffff  }
0x30: {  	v25 =	vadd.s32 s29, v0;
	v24 =	vadd.s32 s26, v0;
	v26 =	vadd.s32 s28, v0;
	v28 =	vld.idx.msk [tilespmem:v8+s9+$0x0], $0xffff  }
0x31: {  	v30 =	vor.u32 v3, v10;
	v10 =	vand.u32 $0x7F, v24;
	v24 =	vand.u32 $0x7F, v26;
	v32 =	vld.idx.msk [tilespmem:v22+s9+$0x0], $0xffff  }
0x32: {  	s31 =	simm.s32 $0xE;
	v8 =	vor.u32 v3, v18;
	v33 =	vld.idx.msk [tilespmem:v22+s11+$0x0], $0xffff;
	v9 =	vsub.f32 v9, v11;
	v7 =	vsub.f32 v17, v7  }
0x33: {  	v11 =	vadd.s32 s31, v0;
	v12 =	vsub.f32 v12, v5;
	v5 =	vand.u32 $0x7F, v25;
	v23 =	vld.idx.msk [tilespmem:v14+s9+$0x0], $0xffff  }
0x34: {  	s30 =	simm.s32 $0xB;
	v6 =	vsub.f32 v6, v16;
	v25 =	vimm.f32 $0.0e+00;
	v27 =	vld.idx.msk [tilespmem:v14+s11+$0x0], $0xffff;
	v14 =	vor.u32 v3, v10  }
0x35: {  	v26 =	vld.idx.msk [tilespmem:v21+s9+$0x0], $0xffff;
	v10 =	vor.u32 v3, v24;
	v24 =	vadd.s32 s30, v0;
	v11 =	vand.u32 $0x7F, v11  }
0x36: {  	v16 =	vld.idx.msk [tilespmem:v30+s11+$0x0], $0xffff;
	v22 =	vor.u32 v3, v5;
	v18 =	vand.u32 $0x7F, v24;
	v9 =	vmul.f32 v9, v9  }
0x37: {  	v24 =	vld.idx.msk [tilespmem:v21+s11+$0x0], $0xffff;
	v17 =	vor.u32 v3, v11;
	v11 =	vmul.f32 v6, v6;
	v31 =	vmul.f32 v7, v7  }
0x38: {  	v5 =	vadd.f32 v9, v13;
	v9 =	vmul.f32 v12, v12;
	v12 =	vsub.f32 v28, v20;
	v20 =	vld.idx.msk [tilespmem:v30+s9+$0x0], $0xffff  }
0x39: {  	v7 =	vimm.f32 $0.0e+00;
	v18 =	vor.u32 v3, v18;
	v28 =	vsub.f32 v23, v27;
	v27 =	vld.idx.msk [tilespmem:v19+s9+$0x0], $0xffff  }
0x3a: {  	v6 =	vimm.f32 $0.0e+00;
	v30 =	vsub.f32 v32, v33;
	v19 =	vadd.f32 v9, v13;
	v23 =	vld.idx.msk [tilespmem:v14+s11+$0x0], $0xffff  }
0x3b: {  	s22 =	simm.s32 $0x1F;
	v29 =	vmul.f32 v12, v12;
	v9 =	vimm.f32 $0.0e+00;
	v21 =	vld.idx.msk [tilespmem:v22+s11+$0x0], $0xffff;
	v12 =	vimm.f32 $0.0e+00  }
.LBB2_3:
0x3c: {  	s23 =	sadd.s32 $0xFFFFFFF2, s22;
	s24 =	sadd.s32 $0xFFFFFFF3, s22;
	s25 =	sadd.s32 $0xFFFFFFF4, s22;
	v28 =	vmul.f32 v28, v28;
	v13 =	vadd.f32 v31, v13;
	v24 =	vsub.f32 v26, v24;
	v14 =	vld.idx.msk [tilespmem:v14+s9+$0x0], $0xffff  }
0x3d: {  	s26 =	sadd.s32 $0xFFFFFFF6, s22;
	v26 =	vadd.s32 s23, v0;
	v31 =	vadd.s32 s24, v0;
	s23 =	sadd.s32 $0xFFFFFFF5, s22;
	s24 =	sadd.s32 $0xFFFFFFF9, s22;
	v32 =	vld.idx.msk [tilespmem:v10+s9+$0x0], $0xffff;
	v30 =	vmul.f32 v30, v30  }
0x3e: {  	s28 =	sadd.s32 $0xFFFFFFFD, s22;
	v34 =	vadd.s32 s26, v0;
	s26 =	sadd.s32 $0xFFFFFFF8, s22;
	v15 =	vsub.f32 v27, v15;
	v33 =	vadd.s32 s23, v0;
	s23 =	sadd.s32 $0xFFFFFFF7, s22;
	v35 =	vld.idx.msk [tilespmem:v18+s9+$0x0], $0xffff  }
0x3f: {  	p0 =	sne.s32 s22, $0x7F;
	v25 =	vadd.f32 v29, v25;
	v36 =	vadd.s32 s26, v0;
	v27 =	vadd.s32 s23, v0;
	v18 =	vld.idx.msk [tilespmem:v18+s11+$0x0], $0xffff;
	s23 =	smov.u32 s22;
	s22 =	sadd.s32 $0x10, s22  }
0x40: {  	v29 =	vand.u32 $0x7F, v33;
	v33 =	vand.u32 $0x7F, v34;
	v19 =	vadd.f32 v30, v19;
	v30 =	vld.idx.msk [tilespmem:v17+s11+$0x0], $0xffff  }
0x41: {  	v34 =	vadd.s32 s25, v0;
	v36 =	vand.u32 $0x7F, v36;
	v29 =	vor.u32 v3, v29;
	s25 =	sadd.s32 $0xFFFFFFFE, s23;
	v22 =	vld.idx.msk [tilespmem:v22+s9+$0x0], $0xffff  }
0x42: {  	v26 =	vand.u32 $0x7F, v26;
	v31 =	vand.u32 $0x7F, v31;
	s26 =	sadd.s32 $0xFFFFFFFC, s23;
	v23 =	vsub.f32 v14, v23;
	v37 =	vld.idx.msk [tilespmem:v8+s9+$0x0], $0xffff  }
0x43: {  	v26 =	vor.u32 v3, v26;
	v14 =	vand.u32 $0x7F, v34;
	v34 =	vadd.s32 s25, v0;
	v10 =	vld.idx.msk [tilespmem:v10+s11+$0x0], $0xffff  }
0x44: {  	v31 =	vor.u32 v3, v31;
	s25 =	sadd.s32 $0xFFFFFFFB, s23;
	v38 =	vor.u32 v3, v14;
	v14 =	vand.u32 $0x7F, v34;
	v17 =	vld.idx.msk [tilespmem:v17+s9+$0x0], $0xffff  }
0x45: {  	v40 =	vmul.f32 v15, v15;
	v27 =	vand.u32 $0x7F, v27;
	v34 =	vadd.s32 s25, v0;
	v39 =	vld.idx.msk [tilespmem:v8+s11+$0x0], $0xffff  }
0x46: {  	v33 =	vor.u32 v3, v33;
	v8 =	vand.u32 $0x7F, v34;
	v34 =	vadd.s32 s28, v0;
	v15 =	vld.idx.msk [tilespmem:v29+s9+$0x0], $0xffff  }
0x47: {  	v41 =	vor.u32 v3, v8;
	v8 =	vadd.s32 s23, v0;
	v21 =	vsub.f32 v22, v21;
	v29 =	vld.idx.msk [tilespmem:v29+s11+$0x0], $0xffff  }
0x48: {  	v16 =	vsub.f32 v20, v16;
	v42 =	vor.u32 v3, v14;
	v8 =	vand.u32 $0x7F, v8;
	v22 =	vld.idx.msk [tilespmem:v26+s9+$0x0], $0xffff  }
0x49: {  	v43 =	vadd.s32 s24, v0;
	s24 =	sadd.s32 $0xFFFFFFFA, s23;
	v27 =	vor.u32 v3, v27;
	s25 =	sadd.s32 $0xFFFFFFF1, s23;
	v14 =	vor.u32 v3, v8;
	v20 =	vld.idx.msk [tilespmem:v31+s11+$0x0], $0xffff  }
0x4a: {  	v44 =	vor.u32 s25, v4;
	v8 =	vadd.s32 s24, v0;
	v32 =	vsub.f32 v32, v10;
	v45 =	vld.idx.msk [tilespmem:v38+s9+$0x0], $0xffff  }
0x4b: {  	v10 =	vand.u32 $0x7F, v43;
	v21 =	vmul.f32 v21, v21;
	v8 =	vand.u32 $0x7F, v8;
	v38 =	vld.idx.msk [tilespmem:v38+s11+$0x0], $0xffff  }
0x4c: {  	v16 =	vmul.f32 v16, v16;
	v10 =	vor.u32 v3, v10;
	v46 =	vor.u32 v3, v8;
	v43 =	vld.idx.msk [tilespmem:v33+s11+$0x0], $0xffff  }
0x4d: {  	v9 =	vadd.f32 v11, v9;
	v8 =	vor.u32 v3, v36;
	v36 =	vadd.s32 s26, v0;
	v26 =	vld.idx.msk [tilespmem:v26+s11+$0x0], $0xffff  }
0x4e: {  	v24 =	vmul.f32 v24, v24;
	v35 =	vsub.f32 v35, v18;
	v11 =	vld.idx.msk [tilespmem:v31+s9+$0x0], $0xffff;
	v31 =	vand.u32 $0x7F, v36  }
0x4f: {  	v5 =	vadd.f32 v21, v5;
	v36 =	vld.idx.msk [tilespmem:v44+s9+$0x0], $0xffff;
	v18 =	vor.u32 v3, v31;
	v31 =	vmul.f32 v32, v32  }
0x50: {  	v12 =	vadd.f32 v24, v12;
	s23 =	sadd.s32 $0xFFFFFFFF, s23;
	v21 =	vsub.f32 v15, v29;
	v32 =	vmul.f32 v23, v23;
	v15 =	vld.idx.msk [tilespmem:v42+s11+$0x0], $0xffff  }
0x51: {  	v7 =	vadd.f32 v28, v7;
	v24 =	vadd.s32 s23, v0;
	v29 =	vsub.f32 v45, v38;
	v23 =	vld.idx.msk [tilespmem:v44+s11+$0x0], $0xffff  }
0x52: {  	v9 =	vadd.f32 v16, v9;
	v30 =	vsub.f32 v17, v30;
	v21 =	vmul.f32 v21, v21;
	v33 =	vld.idx.msk [tilespmem:v33+s9+$0x0], $0xffff  }
0x53: {  	v35 =	vmul.f32 v35, v35;
	v16 =	vand.u32 $0x7F, v24;
	v28 =	vsub.f32 v37, v39;
	v38 =	vld.idx.msk [tilespmem:v46+s9+$0x0], $0xffff  }
0x54: {  	v25 =	vadd.f32 v40, v25;
	v17 =	vor.u32 v3, v16;
	v5 =	vadd.f32 v21, v5;
	v24 =	vld.idx.msk [tilespmem:v27+s11+$0x0], $0xffff  }
0x55: {  	v7 =	vadd.f32 v31, v7;
	v16 =	vsub.f32 v22, v26;
	v22 =	vand.u32 $0x7F, v34;
	v21 =	vld.idx.msk [tilespmem:v46+s11+$0x0], $0xffff  }
0x56: {  	v11 =	vsub.f32 v11, v20;
	v22 =	vor.u32 v3, v22;
	v20 =	vmul.f32 v28, v28;
	v26 =	vld.idx.msk [tilespmem:v27+s9+$0x0], $0xffff  }
.Ltmp0:
0x57: {  	v30 =	vmul.f32 v30, v30;
	v28 =	vsub.f32 v36, v23;
	v23 =	vmul.f32 v16, v16;
	v16 =	vld.idx.msk [tilespmem:v41+s11+$0x0], $0xffff;
	(pc) =	sbr.rel @p0 .LBB2_3-.Ltmp0, $4  }
0x58: {  	v11 =	vmul.f32 v11, v11;
	v6 =	vadd.f32 v20, v6;
	v33 =	vsub.f32 v33, v43;
	v27 =	vld.idx.msk [tilespmem:v42+s9+$0x0], $0xffff  }
0x59: {  	v13 =	vadd.f32 v35, v13;
	v19 =	vadd.f32 v23, v19;
	v23 =	vld.idx.msk [tilespmem:v14+s11+$0x0], $0xffff  }
0x5a: {  	v12 =	vadd.f32 v30, v12;
	v31 =	vmul.f32 v29, v29;
	v29 =	vmul.f32 v33, v33;
	v20 =	vld.idx.msk [tilespmem:v41+s9+$0x0], $0xffff  }
0x5b: {  	v6 =	vadd.f32 v32, v6;
	v30 =	vsub.f32 v38, v21;
	v21 =	vld.idx.msk [tilespmem:v22+s11+$0x0], $0xffff  }
0x5c: {  	_ =	sdelay $0x3  }
0x5d: {  	v3 =	vld.idx.msk [tilespmem:v14+s9+$0x0], $0xffff  }
0x5e: {  	v4 =	vld.idx.msk [tilespmem:v10+s9+$0x0], $0xffff  }
0x5f: {  	v45 =	vld.idx.msk [tilespmem:v18+s9+$0x0], $0xffff  }
0x60: {  	v46 =	vld.idx.msk [tilespmem:v18+s11+$0x0], $0xffff  }
0x61: {  	v22 =	vld.idx.msk [tilespmem:v22+s9+$0x0], $0xffff  }
0x62: {  	v47 =	vld.idx.msk [tilespmem:v10+s11+$0x0], $0xffff  }
0x63: {  	v48 =	vld.idx.msk [tilespmem:v8+s9+$0x0], $0xffff  }
0x64: {  	v13 =	vadd.f32 v31, v13;
	v24 =	vsub.f32 v26, v24;
	v49 =	vld.idx.msk [tilespmem:v8+s11+$0x0], $0xffff  }
0x65: {  	v25 =	vadd.f32 v29, v25;
	v50 =	vld.idx.msk [tilespmem:v17+s11+$0x0], $0xffff;
	v51 =	vmul.f32 v28, v28;
	v30 =	vmul.f32 v30, v30  }
0x66: {  	v52 =	vld.idx.msk [tilespmem:v17+s9+$0x0], $0xffff;
	v9 =	vadd.f32 v11, v9;
	v15 =	vsub.f32 v27, v15;
	v54 =	vmul.f32 v24, v24  }
0x67: {  	v7 =	vadd.f32 v51, v7;
	v19 =	vadd.f32 v30, v19  }
0x68: {  	v16 =	vsub.f32 v20, v16;
	v55 =	vadd.f32 v54, v12  }
0x69: {  	v15 =	vmul.f32 v15, v15;
	v3 =	vsub.f32 v3, v23;
	v21 =	vsub.f32 v22, v21  }
0x6a: {  	v4 =	vsub.f32 v4, v47;
	v16 =	vmul.f32 v16, v16;
	v8 =	vsub.f32 v48, v49  }
0x6b: {  	v14 =	vsub.f32 v45, v46;
	v56 =	vsub.f32 v52, v50;
	v53 =	vmul.f32 v21, v21  }
0x6c: {  	v58 =	vadd.f32 v15, v25;
	v4 =	vmul.f32 v4, v4;
	v8 =	vmul.f32 v8, v8  }
0x6d: {  	v3 =	vmul.f32 v3, v3;
	v9 =	vadd.f32 v16, v9;
	v57 =	vmul.f32 v14, v14  }
0x6e: {  	v11 =	vmul.f32 v56, v56;
	v5 =	vadd.f32 v53, v5;
	v6 =	vadd.f32 v8, v6  }
0x6f: {  	v4 =	vadd.f32 v4, v7;
	v59 =	vadd.f32 v57, v13  }
0x70: {  	v60 =	vadd.f32 v11, v55;
	v3 =	vadd.f32 v3, v6  }
0x71: {  	v4 =	vadd.f32 v19, v4;
	v61 =	vadd.f32 v59, v9  }
0x72: {  	v5 =	vadd.f32 v58, v5;
	v3 =	vadd.f32 v3, v60;
	_ =	sdelay $0x1  }
0x73: {  	v4 =	vadd.f32 v61, v4;
	v3 =	vadd.f32 v3, v5;
	_ =	sdelay $0x1  }
0x74: {  	v3 =	vadd.f32 v3, v4;
	_ =	sdelay $0x1  }
0x75: {  	v4 =	vshrl.u32 v3, $0x1;
	v62 =	vmul.f32 $5.000000000e-01, v3  }
0x76: {  	v4 =	vsub.s32 $0x5F3759DF, v4  }
0x77: {  	v63 =	vmul.f32 v4, v62;
	_ =	sdelay $0x1  }
0x78: {  	v6 =	vmul.f32 v4, v63;
	_ =	sdelay $0x1  }
0x79: {  	v6 =	vsub.f32 $1.500000000e+00, v6;
	_ =	sdelay $0x1  }
0x7a: {  	v4 =	vmul.f32 v4, v6;
	_ =	sdelay $0x1  }
0x7b: {  	v6 =	vmul.f32 v4, v62;
	_ =	sdelay $0x1  }
0x7c: {  	v6 =	vmul.f32 v6, v4;
	_ =	sdelay $0x1  }
0x7d: {  	v6 =	vsub.f32 $1.500000000e+00, v6;
	_ =	sdelay $0x1  }
0x7e: {  	v4 =	vmul.f32 v6, v4;
	_ =	sdelay $0x1  }
0x7f: {  	v5 =	vmul.f32 v4, v62;
	_ =	sdelay $0x1  }
0x80: {  	v5 =	vmul.f32 v5, v4;
	_ =	sdelay $0x1  }
0x81: {  	v5 =	vsub.f32 $1.500000000e+00, v5;
	_ =	sdelay $0x1  }
0x82: {  	s20 =	sadd.s32 $0x1, s20;
	v4 =	vmul.f32 v5, v4  }
0x83: {  	p0 =	sne.s32 s20, $0x8  }
.Ltmp1:
0x84: {  	v3 =	vmul.f32 v4, v3;
	(pc) =	sbr.rel @p0 .LBB2_2-.Ltmp1, $3  }
0x85: {  	_ = 	snop  }
0x86: {  	v3 =	vmul.f32 $7.812500000e-03, v3;
	_ =	sdelay $0x1  }
0x87: {  	[tilespmem:s21+$0x18200] =	vst v3  }
0x88: {  	_ =	swait.ge [sflag:s15], $0x4000  }
0x89: {  	[sflag:s15] =	ssyncset.done $0x0  }
0x8a: {  	s20 =	simm.s32 $0x0;
	[sflag:s15] =	ssyncadd.s32 $0xFFFFC000  }
0x8b: {  	[tilespmem:s11], [sflag:$0x1] =	stream.indirect.gather [hbm4b:s2+s10], $0x80, s16, s10, $0xb8;
	[tilespmem:$0x18400] =	vst v63  }
.LBB2_6:
0x8c: {  	s21 =	sshll.u32 s20, $0x4  }
0x8d: {  	s22 =	simm.s32 $0x7;
	v3 =	vmov s21  }
0x8e: {  	v5 =	vadd.s32 s22, v0;
	v4 =	vshll.u32 v3, $0x7  }
0x8f: {  	s25 =	simm.s32 $0x2;
	v5 =	vand.u32 $0x7F, v5;
	v3 =	vor.u32 v1, v4  }
0x90: {  	s23 =	simm.s32 $0x1;
	v6 =	vadd.s32 s25, v0;
	v4 =	vor.u32 v2, v4;
	v8 =	vor.u32 v3, v5  }
0x91: {  	s28 =	simm.s32 $0x6;
	v7 =	vadd.s32 s23, v0;
	v9 =	vand.u32 $0x7F, v6;
	v10 =	vor.u32 v4, v5  }
0x92: {  	s30 =	simm.s32 $0x5;
	v16 =	vadd.s32 s28, v0;
	v11 =	vand.u32 $0x7F, v7;
	v12 =	vor.u32 v4, v9  }
0x93: {  	s31 =	simm.s32 $0x9;
	v18 =	vadd.s32 s30, v0;
	v16 =	vand.u32 $0x7F, v16;
	v13 =	vor.u32 v3, v11  }
0x94: {  	s29 =	simm.s32 $0xF;
	v21 =	vand.u32 $0x7F, v18;
	v18 =	vadd.s32 s31, v0;
	v11 =	vor.u32 v4, v11  }
0x95: {  	v17 =	vadd.s32 s29, v0;
	v18 =	vand.u32 $0x7F, v18;
	v19 =	vor.u32 v3, v16;
	v8 =	vld.idx.msk [tilespmem:v8+s14+$0x0], $0xffff  }
0x96: {  	s26 =	simm.s32 $0xE;
	v17 =	vand.u32 $0x7F, v17;
	v26 =	vor.u32 v4, v18;
	v10 =	vld.idx.msk [tilespmem:v10+s9+$0x0], $0xffff  }
0x97: {  	s0 =	simm.s32 $0x4;
	v5 =	vadd.s32 s26, v0;
	v20 =	vor.u32 v3, v17;
	v17 =	vor.u32 v4, v17;
	v12 =	vld.idx.msk [tilespmem:v12+s9+$0x0], $0xffff  }
0x98: {  	s24 =	simm.s32 $0x3;
	v22 =	vadd.s32 s0, v0;
	s25 =	simm.s32 $0xD;
	v33 =	vor.u32 v4, v16;
	v14 =	vand.u32 $0x7F, v5;
	v13 =	vld.idx.msk [tilespmem:v13+s14+$0x0], $0xffff  }
0x99: {  	v24 =	vadd.s32 s24, v0;
	s29 =	simm.s32 $0xA;
	v25 =	vadd.s32 s25, v0;
	s26 =	simm.s32 $0x8;
	v15 =	vor.u32 v4, v14;
	v11 =	vld.idx.msk [tilespmem:v11+s9+$0x0], $0xffff  }
0x9a: {  	v32 =	vadd.s32 s29, v0;
	v27 =	vadd.s32 s26, v0;
	v14 =	vor.u32 v3, v14;
	v31 =	vld.idx.msk [tilespmem:v19+s14+$0x0], $0xffff  }
0x9b: {  	s31 =	simm.s32 $0xC;
	v28 =	vand.u32 $0x7F, v25;
	v32 =	vand.u32 $0x7F, v32;
	v29 =	vand.u32 $0x7F, v27;
	v27 =	vld.idx.msk [tilespmem:v26+s9+$0x0], $0xffff  }
0x9c: {  	v63 =	vadd.s32 s31, v0;
	v6 =	vor.u32 v0, v4;
	v23 =	vor.u32 v3, v21;
	v17 =	vld.idx.msk [tilespmem:v17+s9+$0x0], $0xffff  }
0x9d: {  	s28 =	simm.s32 $0x0;
	v7 =	vor.u32 v0, v3;
	v25 =	vor.u32 v3, v18;
	v9 =	vor.u32 v3, v9;
	v40 =	vld.idx.msk [tilespmem:v33+s9+$0x0], $0xffff  }
0x9e: {  	v18 =	vand.u32 $0x7F, v22;
	v37 =	vor.u32 v4, v21;
	v22 =	vor.u32 s28, v7;
	v15 =	vld.idx.msk [tilespmem:v15+s9+$0x0], $0xffff  }
0x9f: {  	v41 =	vor.u32 v3, v32;
	v38 =	vor.u32 v4, v32;
	v30 =	vor.u32 v3, v18;
	v14 =	vld.idx.msk [tilespmem:v14+s14+$0x0], $0xffff  }
0xa0: {  	s30 =	simm.s32 $0xB;
	v5 =	vimm.f32 $0.0e+00;
	v35 =	vor.u32 v3, v29;
	v8 =	vsub.f32 v10, v8;
	v10 =	vld.idx.msk [tilespmem:v20+s14+$0x0], $0xffff  }
0xa1: {  	v19 =	vor.u32 v4, v18;
	v18 =	vand.u32 $0x7F, v24;
	v20 =	vld.idx.msk [tilespmem:v23+s14+$0x0], $0xffff;
	v23 =	vadd.s32 s30, v0  }
0xa2: {  	v34 =	vld.idx.msk [tilespmem:v9+s14+$0x0], $0xffff;
	v11 =	vsub.f32 v11, v13;
	v13 =	vor.u32 s28, v6;
	v8 =	vmul.f32 v8, v8  }
0xa3: {  	v16 =	vor.u32 v4, v18;
	v18 =	vor.u32 v3, v18;
	v26 =	vld.idx.msk [tilespmem:v22+s14+$0x0], $0xffff;
	v23 =	vand.u32 $0x7F, v23  }
0xa4: {  	v22 =	vld.idx.msk [tilespmem:v30+s14+$0x0], $0xffff;
	v21 =	vor.u32 v4, v23;
	v24 =	vadd.f32 v8, v5;
	v8 =	vor.u32 v4, v29  }
0xa5: {  	v11 =	vmul.f32 v11, v11;
	v23 =	vor.u32 v3, v23;
	v29 =	vld.idx.msk [tilespmem:v25+s14+$0x0], $0xffff;
	v25 =	vor.u32 v4, v28  }
0xa6: {  	v30 =	vld.idx.msk [tilespmem:v35+s14+$0x0], $0xffff;
	v28 =	vor.u32 v3, v28;
	v9 =	vsub.f32 v17, v10;
	v10 =	vsub.f32 v15, v14  }
0xa7: {  	v14 =	vand.u32 $0x7F, v63;
	v36 =	vld.idx.msk [tilespmem:v13+s9+$0x0], $0xffff;
	v13 =	vadd.f32 v11, v5;
	v17 =	vsub.f32 v40, v31  }
0xa8: {  	v31 =	vld.idx.msk [tilespmem:v37+s9+$0x0], $0xffff;
	v15 =	vimm.f32 $0.0e+00;
	v11 =	vimm.f32 $0.0e+00;
	v33 =	vor.u32 v4, v14  }
0xa9: {  	v37 =	vor.u32 v3, v14;
	v14 =	vimm.f32 $0.0e+00;
	v39 =	vmul.f32 v9, v9;
	v35 =	vld.idx.msk [tilespmem:v8+s9+$0x0], $0xffff  }
0xaa: {  	s22 =	simm.s32 $0x1F;
	v32 =	vld.idx.msk [tilespmem:v41+s14+$0x0], $0xffff;
	v9 =	vimm.f32 $0.0e+00;
	v8 =	vmul.f32 v10, v10;
	v10 =	vimm.f32 $0.0e+00  }
.LBB2_7:
0xab: {  	s24 =	sadd.s32 $0xFFFFFFF2, s22;
	s25 =	sadd.s32 $0xFFFFFFF3, s22;
	s28 =	sadd.s32 $0xFFFFFFF4, s22;
	v40 =	vadd.s32 s22, v0;
	v27 =	vsub.f32 v27, v29;
	v28 =	vld.idx.msk [tilespmem:v28+s14+$0x0], $0xffff;
	v24 =	vadd.f32 v39, v24  }
0xac: {  	s23 =	sadd.s32 $0xFFFFFFF1, s22;
	s29 =	sadd.s32 $0xFFFFFFF7, s22;
	v12 =	vsub.f32 v12, v34;
	v29 =	vadd.s32 s24, v0;
	v39 =	vadd.s32 s25, v0;
	s24 =	sadd.s32 $0xFFFFFFF5, s22;
	v34 =	vld.idx.msk [tilespmem:v38+s9+$0x0], $0xffff  }
0xad: {  	s30 =	sadd.s32 $0xFFFFFFF6, s22;
	s25 =	sadd.s32 $0xFFFFFFFC, s22;
	v26 =	vsub.f32 v36, v26;
	v38 =	vand.u32 $0x7F, v39;
	v39 =	vadd.s32 s24, v0;
	s24 =	sadd.s32 $0xFFFFFFF8, s22;
	v19 =	vld.idx.msk [tilespmem:v19+s9+$0x0], $0xffff  }
0xae: {  	s31 =	sadd.s32 $0xFFFFFFFA, s22;
	s26 =	sadd.s32 $0xFFFFFFFB, s22;
	s0 =	sadd.s32 $0xFFFFFFFF, s22;
	v29 =	vand.u32 $0x7F, v29;
	v30 =	vsub.f32 v35, v30;
	v36 =	vadd.s32 s24, v0;
	v25 =	vld.idx.msk [tilespmem:v25+s9+$0x0], $0xffff  }
0xaf: {  	p0 =	sne.s32 s22, $0x7F;
	v35 =	vadd.s32 s28, v0;
	v12 =	vmul.f32 v12, v12;
	s24 =	smov.u32 s22;
	s22 =	sadd.s32 $0x10, s22;
	v36 =	vand.u32 $0x7F, v36;
	v37 =	vld.idx.msk [tilespmem:v37+s14+$0x0], $0xffff  }
0xb0: {  	v42 =	vmul.f32 v26, v26;
	v41 =	vor.u32 v4, v36;
	v36 =	vor.u32 v3, v36;
	v26 =	vld.idx.msk [tilespmem:v33+s9+$0x0], $0xffff  }
0xb1: {  	v40 =	vand.u32 $0x7F, v40;
	v31 =	vsub.f32 v31, v20;
	v33 =	vor.u32 v3, v29  }
0xb2: {  	v20 =	vor.u32 v4, v29;
	v30 =	vmul.f32 v30, v30;
	v29 =	vadd.s32 s29, v0;
	v23 =	vld.idx.msk [tilespmem:v23+s14+$0x0], $0xffff  }
0xb3: {  	v44 =	vadd.s32 s30, v0;
	v43 =	vor.u32 v4, v38;
	v45 =	vld.idx.msk [tilespmem:v16+s9+$0x0], $0xffff;
	v16 =	vsub.f32 v34, v32  }
0xb4: {  	s28 =	sadd.s32 $0xFFFFFFFE, s24;
	v29 =	vand.u32 $0x7F, v29;
	v32 =	vand.u32 $0x7F, v44;
	v34 =	vld.idx.msk [tilespmem:v18+s14+$0x0], $0xffff;
	v18 =	vsub.f32 v19, v22  }
0xb5: {  	v19 =	vadd.s32 s28, v0;
	v22 =	vld.idx.msk [tilespmem:v36+s14+$0x0], $0xffff;
	v36 =	vadd.s32 s0, v0;
	v16 =	vmul.f32 v16, v16  }
0xb6: {  	v44 =	vadd.s32 s31, v0;
	v46 =	vsub.f32 v25, v28;
	v36 =	vand.u32 $0x7F, v36  }
0xb7: {  	v5 =	vadd.f32 v12, v5;
	s0 =	sadd.s32 $0xFFFFFFF9, s24;
	v25 =	vld.idx.msk [tilespmem:v41+s9+$0x0], $0xffff;
	v28 =	vor.u32 v4, v36;
	v36 =	vor.u32 v3, v36  }
0xb8: {  	v47 =	vand.u32 $0x7F, v19;
	v37 =	vsub.f32 v26, v37;
	v41 =	vadd.s32 s0, v0;
	v21 =	vld.idx.msk [tilespmem:v21+s9+$0x0], $0xffff  }
0xb9: {  	v26 =	vor.u32 v3, v29;
	v19 =	vand.u32 $0x7F, v44;
	v12 =	vld.idx.msk [tilespmem:v43+s9+$0x0], $0xffff;
	v43 =	vmul.f32 v18, v18  }
0xba: {  	v44 =	vor.u32 v4, v19;
	v48 =	vor.u32 v3, v19;
	v5 =	vadd.f32 v16, v5;
	v33 =	vld.idx.msk [tilespmem:v33+s14+$0x0], $0xffff  }
0xbb: {  	v49 =	vmul.f32 v27, v27;
	v16 =	vand.u32 $0x7F, v39;
	v39 =	vor.u32 v3, v32  }
0xbc: {  	v27 =	vadd.s32 s26, v0;
	v19 =	vor.u32 v4, v16;
	v50 =	vor.u32 v3, v16  }
0xbd: {  	v18 =	vsub.f32 v25, v22;
	v22 =	vand.u32 $0x7F, v41;
	v25 =	vor.u32 v3, v40;
	v41 =	vld.idx.msk [tilespmem:v28+s9+$0x0], $0xffff  }
0xbe: {  	v52 =	vsub.f32 v21, v23;
	v51 =	vld.idx.msk [tilespmem:v20+s9+$0x0], $0xffff;
	v20 =	vand.u32 $0x7F, v35;
	v35 =	vor.u32 v3, v22  }
0xbf: {  	v23 =	vadd.s32 s25, v0;
	v21 =	vmul.f32 v18, v18;
	v16 =	vor.u32 v4, v20;
	v53 =	vld.idx.msk [tilespmem:v36+s14+$0x0], $0xffff  }
0xc0: {  	v40 =	vor.u32 v4, v40;
	v36 =	vor.u32 s23, v7;
	v18 =	vor.u32 v3, v20  }
0xc1: {  	v32 =	vor.u32 v4, v32;
	v24 =	vadd.f32 v21, v24;
	v21 =	vsub.f32 v45, v34;
	v54 =	vld.idx.msk [tilespmem:v26+s14+$0x0], $0xffff  }
0xc2: {  	v55 =	vand.u32 $0x7F, v27;
	v34 =	vor.u32 v4, v29;
	v45 =	vor.u32 v4, v22;
	v56 =	vld.idx.msk [tilespmem:v25+s14+$0x0], $0xffff  }
0xc3: {  	v28 =	vor.u32 v3, v47;
	v25 =	vor.u32 v4, v47;
	v22 =	vmul.f32 v21, v21;
	v20 =	vld.idx.msk [tilespmem:v39+s14+$0x0], $0xffff  }
0xc4: {  	v23 =	vand.u32 $0x7F, v23;
	v29 =	vsub.f32 v51, v33;
	v33 =	vor.u32 v3, v38;
	v27 =	vld.idx.msk [tilespmem:v44+s9+$0x0], $0xffff  }
0xc5: {  	v17 =	vmul.f32 v17, v17;
	v21 =	vor.u32 v4, v23;
	v38 =	vor.u32 s23, v6;
	v39 =	vld.idx.msk [tilespmem:v40+s9+$0x0], $0xffff  }
0xc6: {  	v31 =	vmul.f32 v31, v31;
	v15 =	vadd.f32 v22, v15;
	v40 =	vmul.f32 v29, v29;
	v26 =	vld.idx.msk [tilespmem:v36+s14+$0x0], $0xffff  }
0xc7: {  	v13 =	vadd.f32 v49, v13;
	v23 =	vor.u32 v3, v23;
	v36 =	vmul.f32 v52, v52;
	v29 =	vld.idx.msk [tilespmem:v48+s14+$0x0], $0xffff  }
0xc8: {  	v11 =	vadd.f32 v17, v11;
	v9 =	vadd.f32 v42, v9;
	v17 =	vmul.f32 v46, v46;
	s0 =	sadd.s32 $0xFFFFFFFD, s24;
	v44 =	vld.idx.msk [tilespmem:v34+s9+$0x0], $0xffff  }
0xc9: {  	v10 =	vadd.f32 v31, v10;
	v42 =	vadd.s32 s0, v0;
	v14 =	vadd.f32 v43, v14;
	v22 =	vld.idx.msk [tilespmem:v50+s14+$0x0], $0xffff  }
0xca: {  	v9 =	vadd.f32 v30, v9;
	v43 =	vor.u32 v3, v55;
	v15 =	vadd.f32 v36, v15;
	v34 =	vld.idx.msk [tilespmem:v33+s14+$0x0], $0xffff  }
.Ltmp2:
0xcb: {  	v11 =	vadd.f32 v8, v11;
	v31 =	vmul.f32 v37, v37;
	v39 =	vsub.f32 v39, v56;
	v30 =	vld.idx.msk [tilespmem:v35+s14+$0x0], $0xffff;
	(pc) =	sbr.rel @p0 .LBB2_7-.Ltmp2, $4  }
0xcc: {  	v10 =	vadd.f32 v17, v10;
	v8 =	vsub.f32 v41, v53;
	v36 =	vld.idx.msk [tilespmem:v38+s9+$0x0], $0xffff;
	v38 =	vor.u32 v4, v55  }
0xcd: {  	v37 =	vand.u32 $0x7F, v42;
	v14 =	vadd.f32 v31, v14;
	v13 =	vadd.f32 v40, v13;
	v35 =	vld.idx.msk [tilespmem:v45+s9+$0x0], $0xffff  }
0xce: {  	v8 =	vmul.f32 v8, v8;
	v33 =	vor.u32 v4, v37;
	v39 =	vmul.f32 v39, v39;
	v31 =	vld.idx.msk [tilespmem:v32+s9+$0x0], $0xffff  }
0xcf: {  	v37 =	vor.u32 v3, v37;
	v17 =	vsub.f32 v44, v54;
	v32 =	vld.idx.msk [tilespmem:v43+s14+$0x0], $0xffff  }
0xd0: {  	_ =	sdelay $0x3  }
0xd1: {  	v3 =	vld.idx.msk [tilespmem:v28+s14+$0x0], $0xffff  }
0xd2: {  	v4 =	vld.idx.msk [tilespmem:v38+s9+$0x0], $0xffff  }
0xd3: {  	v6 =	vld.idx.msk [tilespmem:v19+s9+$0x0], $0xffff  }
0xd4: {  	v7 =	vld.idx.msk [tilespmem:v25+s9+$0x0], $0xffff  }
0xd5: {  	v52 =	vld.idx.msk [tilespmem:v37+s14+$0x0], $0xffff  }
0xd6: {  	v16 =	vld.idx.msk [tilespmem:v16+s9+$0x0], $0xffff  }
0xd7: {  	v18 =	vld.idx.msk [tilespmem:v18+s14+$0x0], $0xffff  }
0xd8: {  	v12 =	vsub.f32 v12, v34;
	v53 =	vld.idx.msk [tilespmem:v33+s9+$0x0], $0xffff  }
0xd9: {  	v27 =	vsub.f32 v27, v29;
	v23 =	vld.idx.msk [tilespmem:v23+s14+$0x0], $0xffff;
	v24 =	vadd.f32 v39, v24;
	v17 =	vmul.f32 v17, v17  }
0xda: {  	v21 =	vld.idx.msk [tilespmem:v21+s9+$0x0], $0xffff;
	v26 =	vsub.f32 v36, v26;
	v54 =	vsub.f32 v35, v30;
	v12 =	vmul.f32 v12, v12  }
0xdb: {  	v20 =	vsub.f32 v31, v20;
	v11 =	vadd.f32 v17, v11  }
0xdc: {  	v57 =	vmul.f32 v27, v27;
	v5 =	vadd.f32 v12, v5;
	v4 =	vsub.f32 v4, v32  }
0xdd: {  	v26 =	vmul.f32 v26, v26;
	v6 =	vsub.f32 v6, v22;
	v16 =	vsub.f32 v16, v18  }
0xde: {  	v28 =	vmul.f32 v54, v54;
	v3 =	vsub.f32 v7, v3;
	v55 =	vsub.f32 v53, v52  }
0xdf: {  	v58 =	vsub.f32 v21, v23;
	v59 =	vmul.f32 v20, v20;
	v9 =	vadd.f32 v26, v9  }
0xe0: {  	v8 =	vadd.f32 v8, v11;
	v4 =	vmul.f32 v4, v4;
	v6 =	vmul.f32 v6, v6  }
0xe1: {  	v56 =	vmul.f32 v16, v16;
	v60 =	vmul.f32 v58, v58;
	v10 =	vadd.f32 v59, v10  }
0xe2: {  	v3 =	vmul.f32 v3, v3;
	v9 =	vadd.f32 v28, v9;
	v4 =	vadd.f32 v4, v5  }
0xe3: {  	v7 =	vmul.f32 v55, v55;
	v12 =	vadd.f32 v56, v15;
	v6 =	vadd.f32 v6, v14  }
0xe4: {  	v5 =	vadd.f32 v57, v13;
	v3 =	vadd.f32 v3, v10  }
0xe5: {  	v12 =	vadd.f32 v60, v12;
	v6 =	vadd.f32 v7, v6  }
0xe6: {  	v61 =	vadd.f32 v24, v8;
	v5 =	vadd.f32 v5, v9  }
0xe7: {  	v4 =	vadd.f32 v12, v4;
	v3 =	vadd.f32 v3, v6;
	_ =	sdelay $0x1  }
0xe8: {  	v4 =	vadd.f32 v4, v5;
	v3 =	vadd.f32 v61, v3;
	_ =	sdelay $0x1  }
0xe9: {  	v3 =	vadd.f32 v3, v4;
	_ =	sdelay $0x1  }
0xea: {  	v4 =	vshrl.u32 v3, $0x1;
	v62 =	vmul.f32 $5.000000000e-01, v3  }
0xeb: {  	v4 =	vsub.s32 $0x5F3759DF, v4  }
0xec: {  	v63 =	vmul.f32 v4, v62;
	_ =	sdelay $0x1  }
0xed: {  	v6 =	vmul.f32 v4, v63;
	_ =	sdelay $0x1  }
0xee: {  	v6 =	vsub.f32 $1.500000000e+00, v6;
	_ =	sdelay $0x1  }
0xef: {  	v4 =	vmul.f32 v4, v6;
	_ =	sdelay $0x1  }
0xf0: {  	v6 =	vmul.f32 v4, v62;
	_ =	sdelay $0x1  }
0xf1: {  	v6 =	vmul.f32 v6, v4;
	_ =	sdelay $0x1  }
0xf2: {  	v6 =	vsub.f32 $1.500000000e+00, v6;
	_ =	sdelay $0x1  }
0xf3: {  	v4 =	vmul.f32 v6, v4;
	_ =	sdelay $0x1  }
0xf4: {  	v5 =	vmul.f32 v4, v62;
	_ =	sdelay $0x1  }
0xf5: {  	v5 =	vmul.f32 v5, v4;
	_ =	sdelay $0x1  }
0xf6: {  	v5 =	vsub.f32 $1.500000000e+00, v5;
	_ =	sdelay $0x1  }
0xf7: {  	s20 =	sadd.s32 $0x1, s20;
	v4 =	vmul.f32 v5, v4  }
0xf8: {  	p0 =	sne.s32 s20, $0x8  }
.Ltmp3:
0xf9: {  	v3 =	vmul.f32 v4, v3;
	(pc) =	sbr.rel @p0 .LBB2_6-.Ltmp3, $3  }
0xfa: {  	_ = 	snop  }
0xfb: {  	v3 =	vmul.f32 $7.812500000e-03, v3;
	_ =	sdelay $0x1  }
0xfc: {  	[tilespmem:s21+$0x18280] =	vst v3  }
0xfd: {  	_ =	swait.ge [sflag:s13], $0x4000  }
0xfe: {  	[sflag:s13] =	ssyncset.done $0x0  }
0xff: {  	s20 =	simm.s32 $0x0;
	[sflag:s13] =	ssyncadd.s32 $0xFFFFC000  }
0x100: {  	[tilespmem:s14], [sflag:$0x2] =	stream.indirect.gather [hbm4b:s2+s10], $0x80, s17, s10, $0xb8;
	[tilespmem:$0x18400] =	vst v63  }
.LBB2_10:
0x101: {  	s21 =	sshll.u32 s20, $0x4  }
0x102: {  	s0 =	simm.s32 $0x7;
	v3 =	vmov s21  }
0x103: {  	v5 =	vadd.s32 s0, v0;
	v4 =	vshll.u32 v3, $0x7  }
0x104: {  	v6 =	vor.u32 $0x8000, v1;
	s22 =	simm.s32 $0x1;
	v5 =	vand.u32 $0x7F, v5;
	v3 =	vor.u32 v1, v4  }
0x105: {  	s28 =	simm.s32 $0x6;
	v7 =	vadd.s32 s22, v0;
	v4 =	vor.u32 v6, v4;
	v8 =	vor.u32 v3, v5  }
0x106: {  	s30 =	simm.s32 $0x5;
	v16 =	vadd.s32 s28, v0;
	v11 =	vand.u32 $0x7F, v7;
	v10 =	vor.u32 v4, v5  }
0x107: {  	s31 =	simm.s32 $0x9;
	v18 =	vadd.s32 s30, v0;
	v16 =	vand.u32 $0x7F, v16;
	v13 =	vor.u32 v3, v11  }
0x108: {  	s29 =	simm.s32 $0xF;
	v21 =	vand.u32 $0x7F, v18;
	v18 =	vadd.s32 s31, v0;
	v11 =	vor.u32 v4, v11  }
0x109: {  	v17 =	vadd.s32 s29, v0;
	v18 =	vand.u32 $0x7F, v18;
	v19 =	vor.u32 v3, v16  }
0x10a: {  	s25 =	simm.s32 $0x2;
	v17 =	vand.u32 $0x7F, v17;
	v26 =	vor.u32 v4, v18;
	v8 =	vld.idx.msk [tilespmem:v8+s11+$0x0], $0xffff  }
0x10b: {  	s26 =	simm.s32 $0xE;
	v6 =	vadd.s32 s25, v0;
	v20 =	vor.u32 v3, v17;
	v17 =	vor.u32 v4, v17;
	v10 =	vld.idx.msk [tilespmem:v10+s9+$0x0], $0xffff  }
0x10c: {  	s23 =	simm.s32 $0x4;
	v9 =	vand.u32 $0x7F, v6;
	v5 =	vadd.s32 s26, v0;
	v33 =	vor.u32 v4, v16;
	v13 =	vld.idx.msk [tilespmem:v13+s11+$0x0], $0xffff  }
0x10d: {  	s24 =	simm.s32 $0x3;
	v22 =	vadd.s32 s23, v0;
	s26 =	simm.s32 $0x8;
	v12 =	vor.u32 v4, v9;
	v14 =	vand.u32 $0x7F, v5;
	v11 =	vld.idx.msk [tilespmem:v11+s9+$0x0], $0xffff  }
0x10e: {  	v24 =	vadd.s32 s24, v0;
	s29 =	simm.s32 $0xA;
	v27 =	vadd.s32 s26, v0;
	v15 =	vor.u32 v4, v14;
	v31 =	vld.idx.msk [tilespmem:v19+s11+$0x0], $0xffff  }
0x10f: {  	v32 =	vadd.s32 s29, v0;
	s31 =	simm.s32 $0xC;
	s25 =	simm.s32 $0xD;
	v14 =	vor.u32 v3, v14;
	v29 =	vand.u32 $0x7F, v27;
	v27 =	vld.idx.msk [tilespmem:v26+s9+$0x0], $0xffff  }
0x110: {  	v32 =	vand.u32 $0x7F, v32;
	v63 =	vadd.s32 s31, v0;
	v25 =	vadd.s32 s25, v0;
	v17 =	vld.idx.msk [tilespmem:v17+s9+$0x0], $0xffff  }
0x111: {  	s28 =	simm.s32 $0x0;
	v7 =	vor.u32 v0, v3;
	v23 =	vor.u32 v3, v21;
	v28 =	vand.u32 $0x7F, v25;
	v40 =	vld.idx.msk [tilespmem:v33+s9+$0x0], $0xffff  }
0x112: {  	v25 =	vor.u32 v3, v18;
	v18 =	vand.u32 $0x7F, v22;
	v22 =	vor.u32 s28, v7;
	v12 =	vld.idx.msk [tilespmem:v12+s9+$0x0], $0xffff  }
0x113: {  	v6 =	vor.u32 v0, v4;
	v37 =	vor.u32 v4, v21;
	v9 =	vor.u32 v3, v9;
	v15 =	vld.idx.msk [tilespmem:v15+s9+$0x0], $0xffff  }
0x114: {  	v41 =	vor.u32 v3, v32;
	v38 =	vor.u32 v4, v32;
	v30 =	vor.u32 v3, v18;
	v14 =	vld.idx.msk [tilespmem:v14+s11+$0x0], $0xffff  }
0x115: {  	s30 =	simm.s32 $0xB;
	v5 =	vimm.f32 $0.0e+00;
	v35 =	vor.u32 v3, v29;
	v8 =	vsub.f32 v10, v8;
	v10 =	vld.idx.msk [tilespmem:v20+s11+$0x0], $0xffff  }
0x116: {  	v19 =	vor.u32 v4, v18;
	v18 =	vand.u32 $0x7F, v24;
	v20 =	vld.idx.msk [tilespmem:v23+s11+$0x0], $0xffff;
	v23 =	vadd.s32 s30, v0  }
0x117: {  	v26 =	vld.idx.msk [tilespmem:v22+s11+$0x0], $0xffff;
	v11 =	vsub.f32 v11, v13;
	v13 =	vor.u32 s28, v6;
	v8 =	vmul.f32 v8, v8  }
0x118: {  	v16 =	vor.u32 v4, v18;
	v18 =	vor.u32 v3, v18;
	v34 =	vld.idx.msk [tilespmem:v9+s11+$0x0], $0xffff;
	v23 =	vand.u32 $0x7F, v23  }
0x119: {  	v22 =	vld.idx.msk [tilespmem:v30+s11+$0x0], $0xffff;
	v21 =	vor.u32 v4, v23;
	v24 =	vadd.f32 v8, v5;
	v8 =	vor.u32 v4, v29  }
0x11a: {  	v11 =	vmul.f32 v11, v11;
	v23 =	vor.u32 v3, v23;
	v29 =	vld.idx.msk [tilespmem:v25+s11+$0x0], $0xffff;
	v25 =	vor.u32 v4, v28  }
0x11b: {  	v30 =	vld.idx.msk [tilespmem:v35+s11+$0x0], $0xffff;
	v28 =	vor.u32 v3, v28;
	v9 =	vsub.f32 v17, v10;
	v10 =	vsub.f32 v15, v14  }
0x11c: {  	v14 =	vand.u32 $0x7F, v63;
	v36 =	vld.idx.msk [tilespmem:v13+s9+$0x0], $0xffff;
	v13 =	vadd.f32 v11, v5;
	v17 =	vsub.f32 v40, v31  }
0x11d: {  	v31 =	vld.idx.msk [tilespmem:v37+s9+$0x0], $0xffff;
	v15 =	vimm.f32 $0.0e+00;
	v11 =	vimm.f32 $0.0e+00;
	v33 =	vor.u32 v4, v14  }
0x11e: {  	v37 =	vor.u32 v3, v14;
	v14 =	vimm.f32 $0.0e+00;
	v39 =	vmul.f32 v9, v9;
	v35 =	vld.idx.msk [tilespmem:v8+s9+$0x0], $0xffff  }
0x11f: {  	s22 =	simm.s32 $0x1F;
	v32 =	vld.idx.msk [tilespmem:v41+s11+$0x0], $0xffff;
	v9 =	vimm.f32 $0.0e+00;
	v8 =	vmul.f32 v10, v10;
	v10 =	vimm.f32 $0.0e+00  }
.LBB2_11:
0x120: {  	s0 =	sadd.s32 $0xFFFFFFF2, s22;
	s24 =	sadd.s32 $0xFFFFFFF3, s22;
	s28 =	sadd.s32 $0xFFFFFFF4, s22;
	v40 =	vadd.s32 s22, v0;
	v27 =	vsub.f32 v27, v29;
	v28 =	vld.idx.msk [tilespmem:v28+s11+$0x0], $0xffff;
	v24 =	vadd.f32 v39, v24  }
0x121: {  	s23 =	sadd.s32 $0xFFFFFFF1, s22;
	s29 =	sadd.s32 $0xFFFFFFF7, s22;
	v12 =	vsub.f32 v12, v34;
	v29 =	vadd.s32 s0, v0;
	v39 =	vadd.s32 s24, v0;
	s0 =	sadd.s32 $0xFFFFFFF5, s22;
	v34 =	vld.idx.msk [tilespmem:v38+s9+$0x0], $0xffff  }
0x122: {  	s25 =	sadd.s32 $0xFFFFFFFC, s22;
	s24 =	sadd.s32 $0xFFFFFFF8, s22;
	v26 =	vsub.f32 v36, v26;
	v38 =	vand.u32 $0x7F, v39;
	v39 =	vadd.s32 s0, v0;
	s0 =	sadd.s32 $0xFFFFFFF6, s22;
	v19 =	vld.idx.msk [tilespmem:v19+s9+$0x0], $0xffff  }
0x123: {  	s30 =	sadd.s32 $0xFFFFFFFA, s22;
	s26 =	sadd.s32 $0xFFFFFFFB, s22;
	s31 =	sadd.s32 $0xFFFFFFFF, s22;
	v29 =	vand.u32 $0x7F, v29;
	v36 =	vadd.s32 s24, v0;
	v30 =	vsub.f32 v35, v30;
	v25 =	vld.idx.msk [tilespmem:v25+s9+$0x0], $0xffff  }
0x124: {  	p0 =	sne.s32 s22, $0x7F;
	v35 =	vadd.s32 s28, v0;
	v12 =	vmul.f32 v12, v12;
	s24 =	smov.u32 s22;
	s22 =	sadd.s32 $0x10, s22;
	v36 =	vand.u32 $0x7F, v36;
	v37 =	vld.idx.msk [tilespmem:v37+s11+$0x0], $0xffff  }
0x125: {  	v42 =	vmul.f32 v26, v26;
	v41 =	vor.u32 v4, v36;
	v36 =	vor.u32 v3, v36;
	v26 =	vld.idx.msk [tilespmem:v33+s9+$0x0], $0xffff  }
0x126: {  	v40 =	vand.u32 $0x7F, v40;
	v31 =	vsub.f32 v31, v20;
	v33 =	vor.u32 v3, v29  }
0x127: {  	v20 =	vor.u32 v4, v29;
	v30 =	vmul.f32 v30, v30;
	v29 =	vadd.s32 s29, v0;
	v23 =	vld.idx.msk [tilespmem:v23+s11+$0x0], $0xffff  }
0x128: {  	v43 =	vor.u32 v4, v38;
	v44 =	vadd.s32 s0, v0;
	v45 =	vld.idx.msk [tilespmem:v16+s9+$0x0], $0xffff;
	v16 =	vsub.f32 v34, v32  }
0x129: {  	s0 =	sadd.s32 $0xFFFFFFFE, s24;
	v29 =	vand.u32 $0x7F, v29;
	v32 =	vand.u32 $0x7F, v44;
	v34 =	vld.idx.msk [tilespmem:v18+s11+$0x0], $0xffff;
	v18 =	vsub.f32 v19, v22  }
0x12a: {  	v19 =	vadd.s32 s0, v0;
	v22 =	vld.idx.msk [tilespmem:v36+s11+$0x0], $0xffff;
	v36 =	vadd.s32 s31, v0;
	v16 =	vmul.f32 v16, v16  }
0x12b: {  	v44 =	vadd.s32 s30, v0;
	v46 =	vsub.f32 v25, v28;
	v36 =	vand.u32 $0x7F, v36  }
0x12c: {  	v5 =	vadd.f32 v12, v5;
	s0 =	sadd.s32 $0xFFFFFFF9, s24;
	v25 =	vld.idx.msk [tilespmem:v41+s9+$0x0], $0xffff;
	v28 =	vor.u32 v4, v36;
	v36 =	vor.u32 v3, v36  }
0x12d: {  	v47 =	vand.u32 $0x7F, v19;
	v37 =	vsub.f32 v26, v37;
	v41 =	vadd.s32 s0, v0;
	v21 =	vld.idx.msk [tilespmem:v21+s9+$0x0], $0xffff  }
0x12e: {  	v26 =	vor.u32 v3, v29;
	v19 =	vand.u32 $0x7F, v44;
	v12 =	vld.idx.msk [tilespmem:v43+s9+$0x0], $0xffff;
	v43 =	vmul.f32 v18, v18  }
0x12f: {  	v44 =	vor.u32 v4, v19;
	v48 =	vor.u32 v3, v19;
	v5 =	vadd.f32 v16, v5;
	v33 =	vld.idx.msk [tilespmem:v33+s11+$0x0], $0xffff  }
0x130: {  	v49 =	vmul.f32 v27, v27;
	v16 =	vand.u32 $0x7F, v39;
	v39 =	vor.u32 v3, v32  }
0x131: {  	v27 =	vadd.s32 s26, v0;
	v19 =	vor.u32 v4, v16;
	v50 =	vor.u32 v3, v16  }
0x132: {  	v18 =	vsub.f32 v25, v22;
	v22 =	vand.u32 $0x7F, v41;
	v25 =	vor.u32 v3, v40;
	v41 =	vld.idx.msk [tilespmem:v28+s9+$0x0], $0xffff  }
0x133: {  	v52 =	vsub.f32 v21, v23;
	v51 =	vld.idx.msk [tilespmem:v20+s9+$0x0], $0xffff;
	v20 =	vand.u32 $0x7F, v35;
	v35 =	vor.u32 v3, v22  }
0x134: {  	v23 =	vadd.s32 s25, v0;
	v21 =	vmul.f32 v18, v18;
	v16 =	vor.u32 v4, v20;
	v53 =	vld.idx.msk [tilespmem:v36+s11+$0x0], $0xffff  }
0x135: {  	v40 =	vor.u32 v4, v40;
	v36 =	vor.u32 s23, v7;
	v18 =	vor.u32 v3, v20  }
0x136: {  	v32 =	vor.u32 v4, v32;
	v24 =	vadd.f32 v21, v24;
	v21 =	vsub.f32 v45, v34;
	v54 =	vld.idx.msk [tilespmem:v26+s11+$0x0], $0xffff  }
0x137: {  	v55 =	vand.u32 $0x7F, v27;
	v34 =	vor.u32 v4, v29;
	v45 =	vor.u32 v4, v22;
	v56 =	vld.idx.msk [tilespmem:v25+s11+$0x0], $0xffff  }
0x138: {  	v28 =	vor.u32 v3, v47;
	v25 =	vor.u32 v4, v47;
	v22 =	vmul.f32 v21, v21;
	v20 =	vld.idx.msk [tilespmem:v39+s11+$0x0], $0xffff  }
0x139: {  	v23 =	vand.u32 $0x7F, v23;
	v29 =	vsub.f32 v51, v33;
	v33 =	vor.u32 v3, v38;
	v27 =	vld.idx.msk [tilespmem:v44+s9+$0x0], $0xffff  }
0x13a: {  	v17 =	vmul.f32 v17, v17;
	v21 =	vor.u32 v4, v23;
	v38 =	vor.u32 s23, v6;
	v39 =	vld.idx.msk [tilespmem:v40+s9+$0x0], $0xffff  }
0x13b: {  	v31 =	vmul.f32 v31, v31;
	v15 =	vadd.f32 v22, v15;
	v40 =	vmul.f32 v29, v29;
	v26 =	vld.idx.msk [tilespmem:v36+s11+$0x0], $0xffff  }
0x13c: {  	v13 =	vadd.f32 v49, v13;
	v23 =	vor.u32 v3, v23;
	v36 =	vmul.f32 v52, v52;
	v29 =	vld.idx.msk [tilespmem:v48+s11+$0x0], $0xffff  }
0x13d: {  	v11 =	vadd.f32 v17, v11;
	v9 =	vadd.f32 v42, v9;
	v17 =	vmul.f32 v46, v46;
	s0 =	sadd.s32 $0xFFFFFFFD, s24;
	v44 =	vld.idx.msk [tilespmem:v34+s9+$0x0], $0xffff  }
0x13e: {  	v10 =	vadd.f32 v31, v10;
	v42 =	vadd.s32 s0, v0;
	v14 =	vadd.f32 v43, v14;
	v22 =	vld.idx.msk [tilespmem:v50+s11+$0x0], $0xffff  }
0x13f: {  	v9 =	vadd.f32 v30, v9;
	v43 =	vor.u32 v3, v55;
	v15 =	vadd.f32 v36, v15;
	v34 =	vld.idx.msk [tilespmem:v33+s11+$0x0], $0xffff  }
.Ltmp4:
0x140: {  	v11 =	vadd.f32 v8, v11;
	v31 =	vmul.f32 v37, v37;
	v39 =	vsub.f32 v39, v56;
	v30 =	vld.idx.msk [tilespmem:v35+s11+$0x0], $0xffff;
	(pc) =	sbr.rel @p0 .LBB2_11-.Ltmp4, $4  }
0x141: {  	v10 =	vadd.f32 v17, v10;
	v8 =	vsub.f32 v41, v53;
	v36 =	vld.idx.msk [tilespmem:v38+s9+$0x0], $0xffff;
	v38 =	vor.u32 v4, v55  }
0x142: {  	v37 =	vand.u32 $0x7F, v42;
	v14 =	vadd.f32 v31, v14;
	v13 =	vadd.f32 v40, v13;
	v35 =	vld.idx.msk [tilespmem:v45+s9+$0x0], $0xffff  }
0x143: {  	v8 =	vmul.f32 v8, v8;
	v33 =	vor.u32 v4, v37;
	v39 =	vmul.f32 v39, v39;
	v31 =	vld.idx.msk [tilespmem:v32+s9+$0x0], $0xffff  }
0x144: {  	v37 =	vor.u32 v3, v37;
	v17 =	vsub.f32 v44, v54;
	v32 =	vld.idx.msk [tilespmem:v43+s11+$0x0], $0xffff  }
0x145: {  	_ =	sdelay $0x3  }
0x146: {  	v3 =	vld.idx.msk [tilespmem:v28+s11+$0x0], $0xffff  }
0x147: {  	v4 =	vld.idx.msk [tilespmem:v38+s9+$0x0], $0xffff  }
0x148: {  	v6 =	vld.idx.msk [tilespmem:v19+s9+$0x0], $0xffff  }
0x149: {  	v7 =	vld.idx.msk [tilespmem:v25+s9+$0x0], $0xffff  }
0x14a: {  	v52 =	vld.idx.msk [tilespmem:v37+s11+$0x0], $0xffff  }
0x14b: {  	v16 =	vld.idx.msk [tilespmem:v16+s9+$0x0], $0xffff  }
0x14c: {  	v18 =	vld.idx.msk [tilespmem:v18+s11+$0x0], $0xffff  }
0x14d: {  	v12 =	vsub.f32 v12, v34;
	v53 =	vld.idx.msk [tilespmem:v33+s9+$0x0], $0xffff  }
0x14e: {  	v27 =	vsub.f32 v27, v29;
	v23 =	vld.idx.msk [tilespmem:v23+s11+$0x0], $0xffff;
	v24 =	vadd.f32 v39, v24;
	v17 =	vmul.f32 v17, v17  }
0x14f: {  	v21 =	vld.idx.msk [tilespmem:v21+s9+$0x0], $0xffff;
	v26 =	vsub.f32 v36, v26;
	v54 =	vsub.f32 v35, v30;
	v12 =	vmul.f32 v12, v12  }
0x150: {  	v20 =	vsub.f32 v31, v20;
	v11 =	vadd.f32 v17, v11  }
0x151: {  	v57 =	vmul.f32 v27, v27;
	v5 =	vadd.f32 v12, v5;
	v4 =	vsub.f32 v4, v32  }
0x152: {  	v26 =	vmul.f32 v26, v26;
	v6 =	vsub.f32 v6, v22;
	v16 =	vsub.f32 v16, v18  }
0x153: {  	v28 =	vmul.f32 v54, v54;
	v3 =	vsub.f32 v7, v3;
	v55 =	vsub.f32 v53, v52  }
0x154: {  	v58 =	vsub.f32 v21, v23;
	v59 =	vmul.f32 v20, v20;
	v9 =	vadd.f32 v26, v9  }
0x155: {  	v8 =	vadd.f32 v8, v11;
	v4 =	vmul.f32 v4, v4;
	v6 =	vmul.f32 v6, v6  }
0x156: {  	v56 =	vmul.f32 v16, v16;
	v60 =	vmul.f32 v58, v58;
	v10 =	vadd.f32 v59, v10  }
0x157: {  	v3 =	vmul.f32 v3, v3;
	v9 =	vadd.f32 v28, v9;
	v4 =	vadd.f32 v4, v5  }
0x158: {  	v7 =	vmul.f32 v55, v55;
	v12 =	vadd.f32 v56, v15;
	v6 =	vadd.f32 v6, v14  }
0x159: {  	v5 =	vadd.f32 v57, v13;
	v3 =	vadd.f32 v3, v10  }
0x15a: {  	v12 =	vadd.f32 v60, v12;
	v6 =	vadd.f32 v7, v6  }
0x15b: {  	v61 =	vadd.f32 v24, v8;
	v5 =	vadd.f32 v5, v9  }
0x15c: {  	v4 =	vadd.f32 v12, v4;
	v3 =	vadd.f32 v3, v6;
	_ =	sdelay $0x1  }
0x15d: {  	v4 =	vadd.f32 v4, v5;
	v3 =	vadd.f32 v61, v3;
	_ =	sdelay $0x1  }
0x15e: {  	v3 =	vadd.f32 v3, v4;
	_ =	sdelay $0x1  }
0x15f: {  	v4 =	vshrl.u32 v3, $0x1;
	v62 =	vmul.f32 $5.000000000e-01, v3  }
0x160: {  	v4 =	vsub.s32 $0x5F3759DF, v4  }
0x161: {  	v63 =	vmul.f32 v4, v62;
	_ =	sdelay $0x1  }
0x162: {  	v6 =	vmul.f32 v4, v63;
	_ =	sdelay $0x1  }
0x163: {  	v6 =	vsub.f32 $1.500000000e+00, v6;
	_ =	sdelay $0x1  }
0x164: {  	v4 =	vmul.f32 v4, v6;
	_ =	sdelay $0x1  }
0x165: {  	v6 =	vmul.f32 v4, v62;
	_ =	sdelay $0x1  }
0x166: {  	v6 =	vmul.f32 v6, v4;
	_ =	sdelay $0x1  }
0x167: {  	v6 =	vsub.f32 $1.500000000e+00, v6;
	_ =	sdelay $0x1  }
0x168: {  	v4 =	vmul.f32 v6, v4;
	_ =	sdelay $0x1  }
0x169: {  	v5 =	vmul.f32 v4, v62;
	_ =	sdelay $0x1  }
0x16a: {  	v5 =	vmul.f32 v5, v4;
	_ =	sdelay $0x1  }
0x16b: {  	v5 =	vsub.f32 $1.500000000e+00, v5;
	_ =	sdelay $0x1  }
0x16c: {  	s20 =	sadd.s32 $0x1, s20;
	v4 =	vmul.f32 v5, v4  }
0x16d: {  	p0 =	sne.s32 s20, $0x8  }
.Ltmp5:
0x16e: {  	v3 =	vmul.f32 v4, v3;
	(pc) =	sbr.rel @p0 .LBB2_10-.Ltmp5, $3  }
0x16f: {  	_ = 	snop  }
0x170: {  	v3 =	vmul.f32 $7.812500000e-03, v3;
	_ =	sdelay $0x1  }
0x171: {  	[tilespmem:s21+$0x18300] =	vst v3  }
0x172: {  	_ =	swait.ge [sflag:s15], $0x4000  }
0x173: {  	[sflag:s15] =	ssyncset.done $0x0  }
0x174: {  	s20 =	simm.s32 $0x0;
	[sflag:s15] =	ssyncadd.s32 $0xFFFFC000  }
.LBB2_14:
0x175: {  	s21 =	sshll.u32 s20, $0x4  }
0x176: {  	s0 =	simm.s32 $0x7;
	v3 =	vmov s21  }
0x177: {  	v5 =	vadd.s32 s0, v0;
	v4 =	vshll.u32 v3, $0x7  }
0x178: {  	v6 =	vor.u32 $0xC000, v1;
	s22 =	simm.s32 $0x1;
	v5 =	vand.u32 $0x7F, v5;
	v3 =	vor.u32 v1, v4  }
0x179: {  	s28 =	simm.s32 $0x6;
	v7 =	vadd.s32 s22, v0;
	v4 =	vor.u32 v6, v4;
	v8 =	vor.u32 v3, v5  }
0x17a: {  	s30 =	simm.s32 $0x5;
	v16 =	vadd.s32 s28, v0;
	v11 =	vand.u32 $0x7F, v7;
	v10 =	vor.u32 v4, v5  }
0x17b: {  	s31 =	simm.s32 $0x9;
	v18 =	vadd.s32 s30, v0;
	v16 =	vand.u32 $0x7F, v16;
	v13 =	vor.u32 v3, v11  }
0x17c: {  	s29 =	simm.s32 $0xF;
	v21 =	vand.u32 $0x7F, v18;
	v18 =	vadd.s32 s31, v0;
	v11 =	vor.u32 v4, v11  }
0x17d: {  	v17 =	vadd.s32 s29, v0;
	v18 =	vand.u32 $0x7F, v18;
	v19 =	vor.u32 v3, v16  }
0x17e: {  	s25 =	simm.s32 $0x2;
	v17 =	vand.u32 $0x7F, v17;
	v26 =	vor.u32 v4, v18;
	v8 =	vld.idx.msk [tilespmem:v8+s14+$0x0], $0xffff  }
0x17f: {  	s26 =	simm.s32 $0xE;
	v6 =	vadd.s32 s25, v0;
	v20 =	vor.u32 v3, v17;
	v17 =	vor.u32 v4, v17;
	v10 =	vld.idx.msk [tilespmem:v10+s9+$0x0], $0xffff  }
0x180: {  	s23 =	simm.s32 $0x4;
	v9 =	vand.u32 $0x7F, v6;
	v5 =	vadd.s32 s26, v0;
	v33 =	vor.u32 v4, v16;
	v13 =	vld.idx.msk [tilespmem:v13+s14+$0x0], $0xffff  }
0x181: {  	s24 =	simm.s32 $0x3;
	v22 =	vadd.s32 s23, v0;
	s26 =	simm.s32 $0x8;
	v12 =	vor.u32 v4, v9;
	v14 =	vand.u32 $0x7F, v5;
	v11 =	vld.idx.msk [tilespmem:v11+s9+$0x0], $0xffff  }
0x182: {  	v24 =	vadd.s32 s24, v0;
	s29 =	simm.s32 $0xA;
	v27 =	vadd.s32 s26, v0;
	v15 =	vor.u32 v4, v14;
	v31 =	vld.idx.msk [tilespmem:v19+s14+$0x0], $0xffff  }
0x183: {  	v32 =	vadd.s32 s29, v0;
	s31 =	simm.s32 $0xC;
	s25 =	simm.s32 $0xD;
	v14 =	vor.u32 v3, v14;
	v29 =	vand.u32 $0x7F, v27;
	v27 =	vld.idx.msk [tilespmem:v26+s9+$0x0], $0xffff  }
0x184: {  	v32 =	vand.u32 $0x7F, v32;
	v63 =	vadd.s32 s31, v0;
	v25 =	vadd.s32 s25, v0;
	v17 =	vld.idx.msk [tilespmem:v17+s9+$0x0], $0xffff  }
0x185: {  	s28 =	simm.s32 $0x0;
	v7 =	vor.u32 v0, v3;
	v23 =	vor.u32 v3, v21;
	v28 =	vand.u32 $0x7F, v25;
	v40 =	vld.idx.msk [tilespmem:v33+s9+$0x0], $0xffff  }
0x186: {  	v25 =	vor.u32 v3, v18;
	v18 =	vand.u32 $0x7F, v22;
	v22 =	vor.u32 s28, v7;
	v12 =	vld.idx.msk [tilespmem:v12+s9+$0x0], $0xffff  }
0x187: {  	v6 =	vor.u32 v0, v4;
	v37 =	vor.u32 v4, v21;
	v9 =	vor.u32 v3, v9;
	v15 =	vld.idx.msk [tilespmem:v15+s9+$0x0], $0xffff  }
0x188: {  	v41 =	vor.u32 v3, v32;
	v38 =	vor.u32 v4, v32;
	v30 =	vor.u32 v3, v18;
	v14 =	vld.idx.msk [tilespmem:v14+s14+$0x0], $0xffff  }
0x189: {  	s30 =	simm.s32 $0xB;
	v5 =	vimm.f32 $0.0e+00;
	v35 =	vor.u32 v3, v29;
	v8 =	vsub.f32 v10, v8;
	v10 =	vld.idx.msk [tilespmem:v20+s14+$0x0], $0xffff  }
0x18a: {  	v19 =	vor.u32 v4, v18;
	v18 =	vand.u32 $0x7F, v24;
	v20 =	vld.idx.msk [tilespmem:v23+s14+$0x0], $0xffff;
	v23 =	vadd.s32 s30, v0  }
0x18b: {  	v26 =	vld.idx.msk [tilespmem:v22+s14+$0x0], $0xffff;
	v11 =	vsub.f32 v11, v13;
	v13 =	vor.u32 s28, v6;
	v8 =	vmul.f32 v8, v8  }
0x18c: {  	v16 =	vor.u32 v4, v18;
	v18 =	vor.u32 v3, v18;
	v34 =	vld.idx.msk [tilespmem:v9+s14+$0x0], $0xffff;
	v23 =	vand.u32 $0x7F, v23  }
0x18d: {  	v22 =	vld.idx.msk [tilespmem:v30+s14+$0x0], $0xffff;
	v21 =	vor.u32 v4, v23;
	v24 =	vadd.f32 v8, v5;
	v8 =	vor.u32 v4, v29  }
0x18e: {  	v11 =	vmul.f32 v11, v11;
	v23 =	vor.u32 v3, v23;
	v29 =	vld.idx.msk [tilespmem:v25+s14+$0x0], $0xffff;
	v25 =	vor.u32 v4, v28  }
0x18f: {  	v30 =	vld.idx.msk [tilespmem:v35+s14+$0x0], $0xffff;
	v28 =	vor.u32 v3, v28;
	v9 =	vsub.f32 v17, v10;
	v10 =	vsub.f32 v15, v14  }
0x190: {  	v14 =	vand.u32 $0x7F, v63;
	v36 =	vld.idx.msk [tilespmem:v13+s9+$0x0], $0xffff;
	v13 =	vadd.f32 v11, v5;
	v17 =	vsub.f32 v40, v31  }
0x191: {  	v31 =	vld.idx.msk [tilespmem:v37+s9+$0x0], $0xffff;
	v15 =	vimm.f32 $0.0e+00;
	v11 =	vimm.f32 $0.0e+00;
	v33 =	vor.u32 v4, v14  }
0x192: {  	v37 =	vor.u32 v3, v14;
	v14 =	vimm.f32 $0.0e+00;
	v39 =	vmul.f32 v9, v9;
	v35 =	vld.idx.msk [tilespmem:v8+s9+$0x0], $0xffff  }
0x193: {  	s22 =	simm.s32 $0x1F;
	v32 =	vld.idx.msk [tilespmem:v41+s14+$0x0], $0xffff;
	v9 =	vimm.f32 $0.0e+00;
	v8 =	vmul.f32 v10, v10;
	v10 =	vimm.f32 $0.0e+00  }
.LBB2_15:
0x194: {  	s0 =	sadd.s32 $0xFFFFFFF2, s22;
	s24 =	sadd.s32 $0xFFFFFFF3, s22;
	s28 =	sadd.s32 $0xFFFFFFF4, s22;
	v40 =	vadd.s32 s22, v0;
	v27 =	vsub.f32 v27, v29;
	v28 =	vld.idx.msk [tilespmem:v28+s14+$0x0], $0xffff;
	v24 =	vadd.f32 v39, v24  }
0x195: {  	s23 =	sadd.s32 $0xFFFFFFF1, s22;
	s29 =	sadd.s32 $0xFFFFFFF7, s22;
	v12 =	vsub.f32 v12, v34;
	v29 =	vadd.s32 s0, v0;
	v39 =	vadd.s32 s24, v0;
	s0 =	sadd.s32 $0xFFFFFFF5, s22;
	v34 =	vld.idx.msk [tilespmem:v38+s9+$0x0], $0xffff  }
0x196: {  	s25 =	sadd.s32 $0xFFFFFFFC, s22;
	s24 =	sadd.s32 $0xFFFFFFF8, s22;
	v26 =	vsub.f32 v36, v26;
	v38 =	vand.u32 $0x7F, v39;
	v39 =	vadd.s32 s0, v0;
	s0 =	sadd.s32 $0xFFFFFFF6, s22;
	v19 =	vld.idx.msk [tilespmem:v19+s9+$0x0], $0xffff  }
0x197: {  	s30 =	sadd.s32 $0xFFFFFFFA, s22;
	s26 =	sadd.s32 $0xFFFFFFFB, s22;
	s31 =	sadd.s32 $0xFFFFFFFF, s22;
	v29 =	vand.u32 $0x7F, v29;
	v36 =	vadd.s32 s24, v0;
	v30 =	vsub.f32 v35, v30;
	v25 =	vld.idx.msk [tilespmem:v25+s9+$0x0], $0xffff  }
0x198: {  	p0 =	sne.s32 s22, $0x7F;
	v35 =	vadd.s32 s28, v0;
	v12 =	vmul.f32 v12, v12;
	s24 =	smov.u32 s22;
	s22 =	sadd.s32 $0x10, s22;
	v36 =	vand.u32 $0x7F, v36;
	v37 =	vld.idx.msk [tilespmem:v37+s14+$0x0], $0xffff  }
0x199: {  	v42 =	vmul.f32 v26, v26;
	v41 =	vor.u32 v4, v36;
	v36 =	vor.u32 v3, v36;
	v26 =	vld.idx.msk [tilespmem:v33+s9+$0x0], $0xffff  }
0x19a: {  	v40 =	vand.u32 $0x7F, v40;
	v31 =	vsub.f32 v31, v20;
	v33 =	vor.u32 v3, v29  }
0x19b: {  	v20 =	vor.u32 v4, v29;
	v30 =	vmul.f32 v30, v30;
	v29 =	vadd.s32 s29, v0;
	v23 =	vld.idx.msk [tilespmem:v23+s14+$0x0], $0xffff  }
0x19c: {  	v43 =	vor.u32 v4, v38;
	v44 =	vadd.s32 s0, v0;
	v45 =	vld.idx.msk [tilespmem:v16+s9+$0x0], $0xffff;
	v16 =	vsub.f32 v34, v32  }
0x19d: {  	s0 =	sadd.s32 $0xFFFFFFFE, s24;
	v29 =	vand.u32 $0x7F, v29;
	v32 =	vand.u32 $0x7F, v44;
	v34 =	vld.idx.msk [tilespmem:v18+s14+$0x0], $0xffff;
	v18 =	vsub.f32 v19, v22  }
0x19e: {  	v19 =	vadd.s32 s0, v0;
	v22 =	vld.idx.msk [tilespmem:v36+s14+$0x0], $0xffff;
	v36 =	vadd.s32 s31, v0;
	v16 =	vmul.f32 v16, v16  }
0x19f: {  	v44 =	vadd.s32 s30, v0;
	v46 =	vsub.f32 v25, v28;
	v36 =	vand.u32 $0x7F, v36  }
0x1a0: {  	v5 =	vadd.f32 v12, v5;
	s0 =	sadd.s32 $0xFFFFFFF9, s24;
	v25 =	vld.idx.msk [tilespmem:v41+s9+$0x0], $0xffff;
	v28 =	vor.u32 v4, v36;
	v36 =	vor.u32 v3, v36  }
0x1a1: {  	v47 =	vand.u32 $0x7F, v19;
	v37 =	vsub.f32 v26, v37;
	v41 =	vadd.s32 s0, v0;
	v21 =	vld.idx.msk [tilespmem:v21+s9+$0x0], $0xffff  }
0x1a2: {  	v26 =	vor.u32 v3, v29;
	v19 =	vand.u32 $0x7F, v44;
	v12 =	vld.idx.msk [tilespmem:v43+s9+$0x0], $0xffff;
	v43 =	vmul.f32 v18, v18  }
0x1a3: {  	v44 =	vor.u32 v4, v19;
	v48 =	vor.u32 v3, v19;
	v5 =	vadd.f32 v16, v5;
	v33 =	vld.idx.msk [tilespmem:v33+s14+$0x0], $0xffff  }
0x1a4: {  	v49 =	vmul.f32 v27, v27;
	v16 =	vand.u32 $0x7F, v39;
	v39 =	vor.u32 v3, v32  }
0x1a5: {  	v27 =	vadd.s32 s26, v0;
	v19 =	vor.u32 v4, v16;
	v50 =	vor.u32 v3, v16  }
0x1a6: {  	v18 =	vsub.f32 v25, v22;
	v22 =	vand.u32 $0x7F, v41;
	v25 =	vor.u32 v3, v40;
	v41 =	vld.idx.msk [tilespmem:v28+s9+$0x0], $0xffff  }
0x1a7: {  	v52 =	vsub.f32 v21, v23;
	v51 =	vld.idx.msk [tilespmem:v20+s9+$0x0], $0xffff;
	v20 =	vand.u32 $0x7F, v35;
	v35 =	vor.u32 v3, v22  }
0x1a8: {  	v23 =	vadd.s32 s25, v0;
	v21 =	vmul.f32 v18, v18;
	v16 =	vor.u32 v4, v20;
	v53 =	vld.idx.msk [tilespmem:v36+s14+$0x0], $0xffff  }
0x1a9: {  	v40 =	vor.u32 v4, v40;
	v36 =	vor.u32 s23, v7;
	v18 =	vor.u32 v3, v20  }
0x1aa: {  	v32 =	vor.u32 v4, v32;
	v24 =	vadd.f32 v21, v24;
	v21 =	vsub.f32 v45, v34;
	v54 =	vld.idx.msk [tilespmem:v26+s14+$0x0], $0xffff  }
0x1ab: {  	v55 =	vand.u32 $0x7F, v27;
	v34 =	vor.u32 v4, v29;
	v45 =	vor.u32 v4, v22;
	v56 =	vld.idx.msk [tilespmem:v25+s14+$0x0], $0xffff  }
0x1ac: {  	v28 =	vor.u32 v3, v47;
	v25 =	vor.u32 v4, v47;
	v22 =	vmul.f32 v21, v21;
	v20 =	vld.idx.msk [tilespmem:v39+s14+$0x0], $0xffff  }
0x1ad: {  	v23 =	vand.u32 $0x7F, v23;
	v29 =	vsub.f32 v51, v33;
	v33 =	vor.u32 v3, v38;
	v27 =	vld.idx.msk [tilespmem:v44+s9+$0x0], $0xffff  }
0x1ae: {  	v17 =	vmul.f32 v17, v17;
	v21 =	vor.u32 v4, v23;
	v38 =	vor.u32 s23, v6;
	v39 =	vld.idx.msk [tilespmem:v40+s9+$0x0], $0xffff  }
0x1af: {  	v31 =	vmul.f32 v31, v31;
	v15 =	vadd.f32 v22, v15;
	v40 =	vmul.f32 v29, v29;
	v26 =	vld.idx.msk [tilespmem:v36+s14+$0x0], $0xffff  }
0x1b0: {  	v13 =	vadd.f32 v49, v13;
	v23 =	vor.u32 v3, v23;
	v36 =	vmul.f32 v52, v52;
	v29 =	vld.idx.msk [tilespmem:v48+s14+$0x0], $0xffff  }
0x1b1: {  	v11 =	vadd.f32 v17, v11;
	v9 =	vadd.f32 v42, v9;
	v17 =	vmul.f32 v46, v46;
	s0 =	sadd.s32 $0xFFFFFFFD, s24;
	v44 =	vld.idx.msk [tilespmem:v34+s9+$0x0], $0xffff  }
0x1b2: {  	v10 =	vadd.f32 v31, v10;
	v42 =	vadd.s32 s0, v0;
	v14 =	vadd.f32 v43, v14;
	v22 =	vld.idx.msk [tilespmem:v50+s14+$0x0], $0xffff  }
0x1b3: {  	v9 =	vadd.f32 v30, v9;
	v43 =	vor.u32 v3, v55;
	v15 =	vadd.f32 v36, v15;
	v34 =	vld.idx.msk [tilespmem:v33+s14+$0x0], $0xffff  }
.Ltmp6:
0x1b4: {  	v11 =	vadd.f32 v8, v11;
	v31 =	vmul.f32 v37, v37;
	v39 =	vsub.f32 v39, v56;
	v30 =	vld.idx.msk [tilespmem:v35+s14+$0x0], $0xffff;
	(pc) =	sbr.rel @p0 .LBB2_15-.Ltmp6, $4  }
0x1b5: {  	v10 =	vadd.f32 v17, v10;
	v8 =	vsub.f32 v41, v53;
	v36 =	vld.idx.msk [tilespmem:v38+s9+$0x0], $0xffff;
	v38 =	vor.u32 v4, v55  }
0x1b6: {  	v37 =	vand.u32 $0x7F, v42;
	v14 =	vadd.f32 v31, v14;
	v13 =	vadd.f32 v40, v13;
	v35 =	vld.idx.msk [tilespmem:v45+s9+$0x0], $0xffff  }
0x1b7: {  	v8 =	vmul.f32 v8, v8;
	v33 =	vor.u32 v4, v37;
	v39 =	vmul.f32 v39, v39;
	v31 =	vld.idx.msk [tilespmem:v32+s9+$0x0], $0xffff  }
0x1b8: {  	v37 =	vor.u32 v3, v37;
	v17 =	vsub.f32 v44, v54;
	v32 =	vld.idx.msk [tilespmem:v43+s14+$0x0], $0xffff  }
0x1b9: {  	_ =	sdelay $0x3  }
0x1ba: {  	v3 =	vld.idx.msk [tilespmem:v28+s14+$0x0], $0xffff  }
0x1bb: {  	v4 =	vld.idx.msk [tilespmem:v38+s9+$0x0], $0xffff  }
0x1bc: {  	v6 =	vld.idx.msk [tilespmem:v19+s9+$0x0], $0xffff  }
0x1bd: {  	v7 =	vld.idx.msk [tilespmem:v25+s9+$0x0], $0xffff  }
0x1be: {  	v52 =	vld.idx.msk [tilespmem:v37+s14+$0x0], $0xffff  }
0x1bf: {  	v16 =	vld.idx.msk [tilespmem:v16+s9+$0x0], $0xffff  }
0x1c0: {  	v18 =	vld.idx.msk [tilespmem:v18+s14+$0x0], $0xffff  }
0x1c1: {  	v12 =	vsub.f32 v12, v34;
	v53 =	vld.idx.msk [tilespmem:v33+s9+$0x0], $0xffff  }
0x1c2: {  	v27 =	vsub.f32 v27, v29;
	v23 =	vld.idx.msk [tilespmem:v23+s14+$0x0], $0xffff;
	v24 =	vadd.f32 v39, v24;
	v17 =	vmul.f32 v17, v17  }
0x1c3: {  	v21 =	vld.idx.msk [tilespmem:v21+s9+$0x0], $0xffff;
	v26 =	vsub.f32 v36, v26;
	v54 =	vsub.f32 v35, v30;
	v12 =	vmul.f32 v12, v12  }
0x1c4: {  	v20 =	vsub.f32 v31, v20;
	v11 =	vadd.f32 v17, v11  }
0x1c5: {  	v57 =	vmul.f32 v27, v27;
	v5 =	vadd.f32 v12, v5;
	v4 =	vsub.f32 v4, v32  }
0x1c6: {  	v26 =	vmul.f32 v26, v26;
	v6 =	vsub.f32 v6, v22;
	v16 =	vsub.f32 v16, v18  }
0x1c7: {  	v28 =	vmul.f32 v54, v54;
	v3 =	vsub.f32 v7, v3;
	v55 =	vsub.f32 v53, v52  }
0x1c8: {  	v58 =	vsub.f32 v21, v23;
	v59 =	vmul.f32 v20, v20;
	v9 =	vadd.f32 v26, v9  }
0x1c9: {  	v8 =	vadd.f32 v8, v11;
	v4 =	vmul.f32 v4, v4;
	v6 =	vmul.f32 v6, v6  }
0x1ca: {  	v56 =	vmul.f32 v16, v16;
	v60 =	vmul.f32 v58, v58;
	v10 =	vadd.f32 v59, v10  }
0x1cb: {  	v3 =	vmul.f32 v3, v3;
	v9 =	vadd.f32 v28, v9;
	v4 =	vadd.f32 v4, v5  }
0x1cc: {  	v7 =	vmul.f32 v55, v55;
	v12 =	vadd.f32 v56, v15;
	v6 =	vadd.f32 v6, v14  }
0x1cd: {  	v5 =	vadd.f32 v57, v13;
	v3 =	vadd.f32 v3, v10  }
0x1ce: {  	v12 =	vadd.f32 v60, v12;
	v6 =	vadd.f32 v7, v6  }
0x1cf: {  	v61 =	vadd.f32 v24, v8;
	v5 =	vadd.f32 v5, v9  }
0x1d0: {  	v4 =	vadd.f32 v12, v4;
	v3 =	vadd.f32 v3, v6;
	_ =	sdelay $0x1  }
0x1d1: {  	v4 =	vadd.f32 v4, v5;
	v3 =	vadd.f32 v61, v3;
	_ =	sdelay $0x1  }
0x1d2: {  	v3 =	vadd.f32 v3, v4;
	_ =	sdelay $0x1  }
0x1d3: {  	v4 =	vshrl.u32 v3, $0x1;
	v62 =	vmul.f32 $5.000000000e-01, v3  }
0x1d4: {  	v4 =	vsub.s32 $0x5F3759DF, v4  }
0x1d5: {  	v63 =	vmul.f32 v4, v62;
	_ =	sdelay $0x1  }
0x1d6: {  	v6 =	vmul.f32 v4, v63;
	_ =	sdelay $0x1  }
0x1d7: {  	v6 =	vsub.f32 $1.500000000e+00, v6;
	_ =	sdelay $0x1  }
0x1d8: {  	v4 =	vmul.f32 v4, v6;
	_ =	sdelay $0x1  }
0x1d9: {  	v6 =	vmul.f32 v4, v62;
	_ =	sdelay $0x1  }
0x1da: {  	v6 =	vmul.f32 v6, v4;
	_ =	sdelay $0x1  }
0x1db: {  	v6 =	vsub.f32 $1.500000000e+00, v6;
	_ =	sdelay $0x1  }
0x1dc: {  	v4 =	vmul.f32 v6, v4;
	_ =	sdelay $0x1  }
0x1dd: {  	v5 =	vmul.f32 v4, v62;
	_ =	sdelay $0x1  }
0x1de: {  	v5 =	vmul.f32 v5, v4;
	_ =	sdelay $0x1  }
0x1df: {  	v5 =	vsub.f32 $1.500000000e+00, v5;
	_ =	sdelay $0x1  }
0x1e0: {  	s20 =	sadd.s32 $0x1, s20;
	v4 =	vmul.f32 v5, v4  }
0x1e1: {  	p0 =	sne.s32 s20, $0x8  }
.Ltmp7:
0x1e2: {  	v3 =	vmul.f32 v4, v3;
	(pc) =	sbr.rel @p0 .LBB2_14-.Ltmp7, $3  }
0x1e3: {  	_ = 	snop  }
0x1e4: {  	v3 =	vmul.f32 $7.812500000e-03, v3;
	_ =	sdelay $0x1  }
0x1e5: {  	[tilespmem:s21+$0x18380] =	vst v3  }
0x1e6: {  	s19 =	sadd.s32 $0x1, s19  }
0x1e7: {  	p0 =	sne.s32 s19, s7  }
.Ltmp8:
0x1e8: {  	_ = 	snop;
	(pc) =	sbr.rel @p0 .LBB2_1-.Ltmp8, $4  }
0x1e9: {  	[hbm4b:s6+s3] =	stream.linear.scatter [tilespmem:s18], [sflag:$0x4], $0x200, $0x38;
	[tilespmem:$0x18400] =	vst v63  }
0x1ea: {  	_ =	swait.ge [sflag:s8], $0x200  }
0x1eb: {  	[sflag:s8] =	ssyncset.done $0x0  }
0x1ec: {  	[sflag:s8] =	ssyncadd.s32 $0xFFFFFE00  }
0x1ed: {  	_ =	sfence.sel $0x180000  }
0x1ee: {  	[bflag:$0x0] =	sbarrier.arrive $0xFFFF  }
0x1ef: {  	_ =	strace $0x90000047  }
0x1f0: {  	[bflag:$0x2] =	sbarrier.arrive $0xFFFF  }
0x1f1: {  	p0 =	sne.s32 s1, $0x0;
	s0 =	rddreg [dreg:$0x4]  }
0x1f2: {  	s0 =	sadd.s32 @!p0 $0x100000, s0  }
0x1f3: {  	[sflag:s0] =	ssyncadd.tile.s32 @!p0 $0x1;
	_ =	shalt  }
.Lfunc_end2:
_tile_overlayer_lowered:
.L_overlay_start_2:
0x1f4: {  	(tag) =	ssettag $0x2  }
0x1f5: {  	s0 =	rddreg [dreg:$0x0];
	s2 =	stileid.u32  }
0x1f6: {  	s1 =	rddreg [dreg:$0x1];
	p0 =	sne.s32 s2, $0x0  }
0x1f7: {  	s3 =	rddreg [dreg:$0x2];
	[bflag:$0x3] =	sbarrier.arrive $0xFFFF;
	s2 =	simm.s32 @!p0 $0x1C04  }
0x1f8: {  	[timem:s3], [sflag:s2] =	dma.local @!p0 [hbm:s0], s1  }
0x1f9: {  	s0 =	simm.s32 @!p0 $0x4  }
0x1fa: {  	_ =	swait.ge @!p0 [sflag:s0], s1  }
0x1fb: {  	s1 =	ssub.s32 @!p0 $0x0, s1;
	[sflag:s0] =	ssyncset.done @!p0 $0x0  }
0x1fc: {  	[sflag:s0] =	ssyncadd.s32 @!p0 s1  }
0x1fd: {  	[bflag:$0x3] =	sbarrier.arrive $0xFFFF  }
0x1fe: {  	_ =	shalt  }

</sc_bundles>
